<compile_context>
chip_gen: v7x
topology: tpu7x:2x2x1
jax: 0.10.2.dev20260603
libtpu: 0.0.44.dev20260713+nightly
codegen_flags: <defaults>
</compile_context>

<pallas_src>
import jax
import jax.numpy as jnp
from jax.experimental import pallas as pl
from jax.experimental.pallas import tpu as pltpu

_B, _N, _C = 16, 20000, 80
_PRE = 1000
_PAD = 1024
_MAX = 100
_IOU_T = 0.5
_SCORE_T = 0.25
_CHUNK = 4000


def _cls_kernel(s_ref, m_ref, i_ref):
    s = s_ref[0]
    m = jnp.max(s, axis=0)
    ci = jax.lax.broadcasted_iota(jnp.int32, s.shape, 0)
    i_ref[0, 0] = jnp.min(jnp.where(s == m[None, :], ci, _C), axis=0)
    m_ref[0, 0] = m


def _nms_kernel(cb_ref, cs_ref, cc_ref, ob_ref, os_ref, oc_ref, mat_ref):
    P = _PAD
    bx = cb_ref[0]
    w = bx[2] * 0.2
    h = bx[3] * 0.2
    x1 = bx[0] - w * 0.5
    y1 = bx[1] - h * 0.5
    x2 = bx[0] + w * 0.5
    y2 = bx[1] + h * 0.5
    s = cs_ref[0, 0]

    ix1 = jnp.maximum(x1[:, None], x1[None, :])
    iy1 = jnp.maximum(y1[:, None], y1[None, :])
    ix2 = jnp.minimum(x2[:, None], x2[None, :])
    iy2 = jnp.minimum(y2[:, None], y2[None, :])
    inter = jnp.clip(ix2 - ix1, 0.0) * jnp.clip(iy2 - iy1, 0.0)
    area = (x2 - x1) * (y2 - y1)
    iou = inter / (area[:, None] + area[None, :] - inter + 1e-9)
    ii = jax.lax.broadcasted_iota(jnp.int32, (P, P), 0)
    jj = jax.lax.broadcasted_iota(jnp.int32, (P, P), 1)
    mat_ref[...] = ((iou >= _IOU_T) & (jj > ii)).astype(jnp.float32)

    keep0 = (s > _SCORE_T).astype(jnp.float32)

    def cond(c):
        _, it, ch = c
        return ch & (it < _PRE)

    def body(c):
        k, it, _ = c
        sup = jax.lax.dot_general(k[None, :], mat_ref[...],
                                  (((1,), (0,)), ((), ())),
                                  preferred_element_type=jnp.float32)[0]
        kn = jnp.where(sup > 0.5, 0.0, keep0)
        return kn, it + 1, jnp.any(kn != k)

    keep, _, _ = jax.lax.while_loop(
        cond, body, (keep0, jnp.int32(0), jnp.bool_(True)))

    lane = jax.lax.broadcasted_iota(jnp.int32, (P,), 0)
    validc = lane < _PRE
    nk = jnp.where(validc, 1.0 - keep, 0.0)
    mat_ref[...] = (ii < jj).astype(jnp.float32)
    both = jnp.stack([keep, nk], axis=0)
    pos = jax.lax.dot_general(both, mat_ref[...],
                              (((1,), (0,)), ((), ())),
                              preferred_element_type=jnp.float32)
    tot = jnp.sum(keep)
    rank = jnp.where(keep > 0.5, pos[0], tot + pos[1])
    rank = jnp.where(validc, rank, 2.0 * P)
    jrow = jax.lax.broadcasted_iota(jnp.int32, (128, P), 0)
    onehot = (rank.astype(jnp.int32)[None, :] == jrow).astype(jnp.float32)
    data = jnp.stack([x1, y1, x2, y2, s, cc_ref[0, 0]], axis=0)
    res = jax.lax.dot_general(onehot, data, (((1,), (1,)), ((), ())),
                              preferred_element_type=jnp.float32)
    slot = jax.lax.broadcasted_iota(jnp.int32, (128,), 0)
    valid = slot < tot.astype(jnp.int32)
    ob_ref[0] = res[:_MAX, 0:4]
    os_ref[0, 0] = jnp.where(valid, res[:, 4], 0.0)[:_MAX]
    oc_ref[0, 0] = jnp.where(valid, res[:, 5], -1.0)[:_MAX].astype(jnp.int32)


def kernel(boxes, scores):
    st = jnp.transpose(scores, (0, 2, 1))
    smax3, sidx3 = pl.pallas_call(
        _cls_kernel,
        grid=(_B,),
        in_specs=[pl.BlockSpec((1, _C, _N), lambda b: (b, 0, 0))],
        out_specs=[pl.BlockSpec((1, 1, _N), lambda b: (b, 0, 0)),
                   pl.BlockSpec((1, 1, _N), lambda b: (b, 0, 0))],
        out_shape=[jax.ShapeDtypeStruct((_B, 1, _N), jnp.float32),
                   jax.ShapeDtypeStruct((_B, 1, _N), jnp.int32)],
    )(st)
    smax = smax3.reshape(_B, _N)
    sidx = sidx3.reshape(_B, _N)

    top_s, top_i = jax.lax.top_k(smax, _PRE)
    cb = jnp.take_along_axis(boxes, top_i[..., None], axis=1)
    ccls = jnp.take_along_axis(sidx, top_i, axis=1)

    cbT = jnp.pad(jnp.transpose(cb, (0, 2, 1)),
                  ((0, 0), (0, 0), (0, _PAD - _PRE)))
    s_p = jnp.pad(top_s, ((0, 0), (0, _PAD - _PRE)),
                  constant_values=-1.0)[:, None, :]
    c_p = jnp.pad(ccls.astype(jnp.float32),
                  ((0, 0), (0, _PAD - _PRE)))[:, None, :]

    ob, osc, ocl = pl.pallas_call(
        _nms_kernel,
        grid=(_B,),
        in_specs=[pl.BlockSpec((1, 4, _PAD), lambda b: (b, 0, 0)),
                  pl.BlockSpec((1, 1, _PAD), lambda b: (b, 0, 0)),
                  pl.BlockSpec((1, 1, _PAD), lambda b: (b, 0, 0))],
        out_specs=[pl.BlockSpec((1, _MAX, 4), lambda b: (b, 0, 0)),
                   pl.BlockSpec((1, 1, _MAX), lambda b: (b, 0, 0)),
                   pl.BlockSpec((1, 1, _MAX), lambda b: (b, 0, 0))],
        out_shape=[jax.ShapeDtypeStruct((_B, _MAX, 4), jnp.float32),
                   jax.ShapeDtypeStruct((_B, 1, _MAX), jnp.float32),
                   jax.ShapeDtypeStruct((_B, 1, _MAX), jnp.int32)],
        scratch_shapes=[pltpu.VMEM((_PAD, _PAD), jnp.float32)],
    )(cbT, s_p, c_p)
    return ob, osc[:, 0, :], ocl[:, 0, :]

# --- scband reference (transcript-rebuilt; emitter-appended) ---
"""Pipeline reference for scband-yolo-training-model-59261958751040 (READ-ONLY COPY).

The authoritative reference and input builder live on the scoring server;
editing this copy changes nothing except your own understanding.
"""

import jax, jax.numpy as jnp
import numpy as np

B = 16
N = 20000
C = 80
MAX_BOXES = 100
PRE_NMS = 1000
IOU_T = 0.5
SCORE_T = 0.25


def setup_inputs(seed: int = 0) -> dict:
    key = jax.random.key(seed)
    k1, k2 = jax.random.split(key)
    boxes = jax.random.uniform(k1, (B, N, 4), dtype=jnp.float32)
    scores = jax.random.uniform(k2, (B, N, C), dtype=jnp.float32)
    return {"boxes": boxes, "scores": scores}


def _center_to_corners(b):
    # decoded YOLO predictions come in (cx, cy, w, h) normalized coords;
    # scale w/h to realistic box extents before converting to corners
    cx, cy = b[..., 0], b[..., 1]
    w, h = b[..., 2] * 0.2, b[..., 3] * 0.2
    x1 = cx - w * 0.5
    y1 = cy - h * 0.5
    x2 = cx + w * 0.5
    y2 = cy + h * 0.5
    return jnp.stack([x1, y1, x2, y2], axis=-1)


def _iou(box, boxes):
    # box: [4], boxes: [K, 4] corner coords
    x1 = jnp.maximum(box[0], boxes[:, 0])
    y1 = jnp.maximum(box[1], boxes[:, 1])
    x2 = jnp.minimum(box[2], boxes[:, 2])
    y2 = jnp.minimum(box[3], boxes[:, 3])
    inter = jnp.clip(x2 - x1, 0.0) * jnp.clip(y2 - y1, 0.0)
    a1 = (box[2] - box[0]) * (box[3] - box[1])
    a2 = (boxes[:, 2] - boxes[:, 0]) * (boxes[:, 3] - boxes[:, 1])
    return inter / (a1 + a2 - inter + 1e-9)


def _nms_keep(boxes, scores):
    # greedy NMS over score-descending candidates (boxes already sorted)
    K = boxes.shape[0]
    idxs = jnp.arange(K)

    def body(keep, i):
        iou_i = _iou(boxes[i], boxes)
        suppress = (iou_i >= IOU_T) & (idxs > i)
        keep = jnp.where(keep[i], keep & (~suppress), keep)
        return keep, None

    keep0 = scores > SCORE_T
    keep, _ = jax.lax.scan(body, keep0, idxs)
    return keep


def _nms_single(boxes_c, cls_scores, cls_ids):
    # pre-NMS top-k candidate selection (sort by score)
    top_s, top_i = jax.lax.top_k(cls_scores, PRE_NMS)
    cand_boxes = jnp.take(boxes_c, top_i, axis=0)
    cand_cls = jnp.take(cls_ids, top_i, axis=0)
    keep = jax.lax.stop_gradient(
        _nms_keep(jax.lax.stop_gradient(cand_boxes), jax.lax.stop_gradient(top_s)))
    masked = jnp.where(keep, top_s, -1.0)
    sel_s, sel_i = jax.lax.top_k(masked, MAX_BOXES)
    out_boxes = jnp.take(cand_boxes, sel_i, axis=0)
    valid = sel_s > 0.0
    out_scores = jnp.where(valid, sel_s, 0.0)
    out_cls = jnp.where(valid, jnp.take(cand_cls, sel_i, axis=0), -1)
    return out_boxes, out_scores, out_cls


def reference(boxes, scores):
    # nms_box_filtering: class-reduced scores + greedy per-image NMS
    boxes_c = _center_to_corners(boxes)
    cls_scores = jnp.max(scores, axis=-1)
    cls_ids = jnp.argmax(scores, axis=-1)
    out_boxes, out_scores, out_cls = jax.vmap(_nms_single)(boxes_c, cls_scores, cls_ids)
    return out_boxes, out_scores, out_cls

if __name__ == "__main__":
    import jax
    _d = setup_inputs()
    print(jax.jit(kernel)(*tuple(_d.values())))

</pallas_src>

<mosaic_0001>
module attributes {stable_mosaic.version = 14 : i64} {
  func.func @_cls_kernel(%arg0: i32, %arg1: memref<1x80x20000xf32, #tpu.memory_space<vmem>>, %arg2: memref<1x1x20000xf32, #tpu.memory_space<vmem>>, %arg3: memref<1x1x20000xi32, #tpu.memory_space<vmem>>) attributes {dimension_semantics = [#tpu.dimension_semantics<arbitrary>], iteration_bounds = array<i64: 16>, scalar_prefetch = 0 : i64, scratch_operands = 0 : i64, tpu.core_type = #tpu.core_type<tc>, window_params = [{transform_indices = @transform_0, window_bounds = array<i64: 1, 80, 20000>}, {transform_indices = @transform_1, window_bounds = array<i64: 1, 1, 20000>}, {transform_indices = @transform_2, window_bounds = array<i64: 1, 1, 20000>}]} {
    %get3A = arith.constant 0 : index
    %get3A_0 = arith.constant 0 : index
    %get3A_1 = arith.constant 0 : index
    %get3A_2 = vector.load %arg1[%get3A, %get3A_0, %get3A_1] : memref<1x80x20000xf32, #tpu.memory_space<vmem>>, vector<1x80x20000xf32>
    %get3A_3 = vector.shape_cast %get3A_2 : vector<1x80x20000xf32> to vector<80x20000xf32>
    %reduce_max3A = arith.constant dense<0xFF800000> : vector<20000xf32>
    %reduce_max3A_4 = vector.multi_reduction <maximumf>, %get3A_3, %reduce_max3A [0] : vector<80x20000xf32> to vector<20000xf32>
    %iota3A = tpu.iota {dimensions = array<i32: 0>} : vector<80x20000xi32>
    %broadcast_in_dim3A = vector.shape_cast %reduce_max3A_4 : vector<20000xf32> to vector<1x20000xf32>
    %eq3A = vector.broadcast %broadcast_in_dim3A : vector<1x20000xf32> to vector<80x20000xf32>
    %eq3A_5 = arith.cmpf oeq, %get3A_3, %eq3A : vector<80x20000xf32>
    %jit3A = arith.constant 80 : i32
    %broadcast_in_dim3A_6 = vector.broadcast %jit3A : i32 to vector<80x20000xi32>
    %select_n3A = arith.select %eq3A_5, %iota3A, %broadcast_in_dim3A_6 : vector<80x20000xi1>, vector<80x20000xi32>
    %reduce_min3A = arith.constant dense<2147483647> : vector<20000xi32>
    %reduce_min3A_7 = vector.multi_reduction <minsi>, %select_n3A, %reduce_min3A [0] : vector<80x20000xi32> to vector<20000xi32>
    %swap3A = arith.constant 0 : index
    %swap3A_8 = arith.constant 0 : index
    %swap3A_9 = arith.constant 0 : index
    %swap3A_10 = vector.load %arg3[%swap3A, %swap3A_8, %swap3A_9] : memref<1x1x20000xi32, #tpu.memory_space<vmem>>, vector<1x1x20000xi32>
    %swap3A_11 = vector.shape_cast %swap3A_10 : vector<1x1x20000xi32> to vector<20000xi32>
    %swap3A_12 = vector.shape_cast %reduce_min3A_7 : vector<20000xi32> to vector<1x1x20000xi32>
    tpu.vector_store %arg3[%swap3A, %swap3A_8, %swap3A_9], %swap3A_12 {strides = array<i32>} : memref<1x1x20000xi32, #tpu.memory_space<vmem>>, vector<1x1x20000xi32>,
    %swap3A_13 = arith.constant 0 : index
    %swap3A_14 = arith.constant 0 : index
    %swap3A_15 = arith.constant 0 : index
    %swap3A_16 = vector.load %arg2[%swap3A_13, %swap3A_14, %swap3A_15] : memref<1x1x20000xf32, #tpu.memory_space<vmem>>, vector<1x1x20000xf32>
    %swap3A_17 = vector.shape_cast %swap3A_16 : vector<1x1x20000xf32> to vector<20000xf32>
    %swap3A_18 = vector.shape_cast %reduce_max3A_4 : vector<20000xf32> to vector<1x1x20000xf32>
    tpu.vector_store %arg2[%swap3A_13, %swap3A_14, %swap3A_15], %swap3A_18 {strides = array<i32>} : memref<1x1x20000xf32, #tpu.memory_space<vmem>>, vector<1x1x20000xf32>,
    return
  }
  func.func @transform_0(%arg0: i32) -> (i32, i32, i32) {
    %c0_i32 = arith.constant 0 : i32
    %c0_i32_0 = arith.constant 0 : i32
    %c0_i32_1 = arith.constant 0 : i32
    return %arg0, %c0_i32, %c0_i32_0 : i32, i32, i32
  }
  func.func @transform_1(%arg0: i32) -> (i32, i32, i32) {
    %c0_i32 = arith.constant 0 : i32
    %c0_i32_0 = arith.constant 0 : i32
    %c0_i32_1 = arith.constant 0 : i32
    return %arg0, %c0_i32, %c0_i32_0 : i32, i32, i32
  }
  func.func @transform_2(%arg0: i32) -> (i32, i32, i32) {
    %c0_i32 = arith.constant 0 : i32
    %c0_i32_0 = arith.constant 0 : i32
    %c0_i32_1 = arith.constant 0 : i32
    return %arg0, %c0_i32, %c0_i32_0 : i32, i32, i32
  }
}

module attributes {stable_mosaic.version = 14 : i64} {
  func.func @_nms_kernel(%arg0: i32, %arg1: memref<1x4x1024xf32, #tpu.memory_space<vmem>>, %arg2: memref<1x1x1024xf32, #tpu.memory_space<vmem>>, %arg3: memref<1x1x1024xf32, #tpu.memory_space<vmem>>, %arg4: memref<1x100x4xf32, #tpu.memory_space<vmem>>, %arg5: memref<1x1x100xf32, #tpu.memory_space<vmem>>, %arg6: memref<1x1x100xi32, #tpu.memory_space<vmem>>, %arg7: memref<1024x1024xf32, #tpu.memory_space<vmem>>) attributes {dimension_semantics = [#tpu.dimension_semantics<arbitrary>], iteration_bounds = array<i64: 16>, scalar_prefetch = 0 : i64, scratch_operands = 1 : i64, tpu.core_type = #tpu.core_type<tc>, window_params = [{transform_indices = @transform_0, window_bounds = array<i64: 1, 4, 1024>}, {transform_indices = @transform_1, window_bounds = array<i64: 1, 1, 1024>}, {transform_indices = @transform_2, window_bounds = array<i64: 1, 1, 1024>}, {transform_indices = @transform_3, window_bounds = array<i64: 1, 100, 4>}, {transform_indices = @transform_4, window_bounds = array<i64: 1, 1, 100>}, {transform_indices = @transform_5, window_bounds = array<i64: 1, 1, 100>}]} {
    %get3A = arith.constant 0 : index
    %get3A_0 = arith.constant 0 : index
    %get3A_1 = arith.constant 0 : index
    %get3A_2 = vector.load %arg1[%get3A, %get3A_0, %get3A_1] : memref<1x4x1024xf32, #tpu.memory_space<vmem>>, vector<1x4x1024xf32>
    %get3A_3 = vector.shape_cast %get3A_2 : vector<1x4x1024xf32> to vector<4x1024xf32>
    %slice3A = vector.extract_strided_slice %get3A_3 {offsets = [2, 0], sizes = [1, 1024], strides = [1, 1]} : vector<4x1024xf32> to vector<1x1024xf32>
    %squeeze3A = vector.shape_cast %slice3A : vector<1x1024xf32> to vector<1024xf32>
    %mul3A = arith.constant 2.000000e-01 : f32
    %mul3A_4 = vector.broadcast %mul3A : f32 to vector<1024xf32>
    %mul3A_5 = arith.mulf %squeeze3A, %mul3A_4 : vector<1024xf32>
    %slice3A_6 = vector.extract_strided_slice %get3A_3 {offsets = [3, 0], sizes = [1, 1024], strides = [1, 1]} : vector<4x1024xf32> to vector<1x1024xf32>
    %squeeze3A_7 = vector.shape_cast %slice3A_6 : vector<1x1024xf32> to vector<1024xf32>
    %mul3A_8 = arith.constant 2.000000e-01 : f32
    %mul3A_9 = vector.broadcast %mul3A_8 : f32 to vector<1024xf32>
    %mul3A_10 = arith.mulf %squeeze3A_7, %mul3A_9 : vector<1024xf32>
    %slice3A_11 = vector.extract_strided_slice %get3A_3 {offsets = [0, 0], sizes = [1, 1024], strides = [1, 1]} : vector<4x1024xf32> to vector<1x1024xf32>
    %squeeze3A_12 = vector.shape_cast %slice3A_11 : vector<1x1024xf32> to vector<1024xf32>
    %mul3A_13 = arith.constant 5.000000e-01 : f32
    %mul3A_14 = vector.broadcast %mul3A_13 : f32 to vector<1024xf32>
    %mul3A_15 = arith.mulf %mul3A_5, %mul3A_14 : vector<1024xf32>
    %sub3A = arith.subf %squeeze3A_12, %mul3A_15 : vector<1024xf32>
    %slice3A_16 = vector.extract_strided_slice %get3A_3 {offsets = [1, 0], sizes = [1, 1024], strides = [1, 1]} : vector<4x1024xf32> to vector<1x1024xf32>
    %squeeze3A_17 = vector.shape_cast %slice3A_16 : vector<1x1024xf32> to vector<1024xf32>
    %mul3A_18 = arith.constant 5.000000e-01 : f32
    %mul3A_19 = vector.broadcast %mul3A_18 : f32 to vector<1024xf32>
    %mul3A_20 = arith.mulf %mul3A_10, %mul3A_19 : vector<1024xf32>
    %sub3A_21 = arith.subf %squeeze3A_17, %mul3A_20 : vector<1024xf32>
    %slice3A_22 = vector.extract_strided_slice %get3A_3 {offsets = [0, 0], sizes = [1, 1024], strides = [1, 1]} : vector<4x1024xf32> to vector<1x1024xf32>
    %squeeze3A_23 = vector.shape_cast %slice3A_22 : vector<1x1024xf32> to vector<1024xf32>
    %mul3A_24 = arith.constant 5.000000e-01 : f32
    %mul3A_25 = vector.broadcast %mul3A_24 : f32 to vector<1024xf32>
    %mul3A_26 = arith.mulf %mul3A_5, %mul3A_25 : vector<1024xf32>
    %add3A = arith.addf %squeeze3A_23, %mul3A_26 : vector<1024xf32>
    %slice3A_27 = vector.extract_strided_slice %get3A_3 {offsets = [1, 0], sizes = [1, 1024], strides = [1, 1]} : vector<4x1024xf32> to vector<1x1024xf32>
    %squeeze3A_28 = vector.shape_cast %slice3A_27 : vector<1x1024xf32> to vector<1024xf32>
    %mul3A_29 = arith.constant 5.000000e-01 : f32
    %mul3A_30 = vector.broadcast %mul3A_29 : f32 to vector<1024xf32>
    %mul3A_31 = arith.mulf %mul3A_10, %mul3A_30 : vector<1024xf32>
    %add3A_32 = arith.addf %squeeze3A_28, %mul3A_31 : vector<1024xf32>
    %get3A_33 = arith.constant 0 : index
    %get3A_34 = arith.constant 0 : index
    %get3A_35 = arith.constant 0 : index
    %get3A_36 = vector.load %arg2[%get3A_33, %get3A_34, %get3A_35] : memref<1x1x1024xf32, #tpu.memory_space<vmem>>, vector<1x1x1024xf32>
    %get3A_37 = vector.shape_cast %get3A_36 : vector<1x1x1024xf32> to vector<1024xf32>
    %broadcast_in_dim3A = vector.shape_cast %sub3A : vector<1024xf32> to vector<1024x1xf32>
    %broadcast_in_dim3A_38 = vector.shape_cast %sub3A : vector<1024xf32> to vector<1x1024xf32>
    %max3A = vector.broadcast %broadcast_in_dim3A : vector<1024x1xf32> to vector<1024x1024xf32>
    %max3A_39 = vector.broadcast %broadcast_in_dim3A_38 : vector<1x1024xf32> to vector<1024x1024xf32>
    %max3A_40 = arith.maximumf %max3A, %max3A_39 : vector<1024x1024xf32>
    %broadcast_in_dim3A_41 = vector.shape_cast %sub3A_21 : vector<1024xf32> to vector<1024x1xf32>
    %broadcast_in_dim3A_42 = vector.shape_cast %sub3A_21 : vector<1024xf32> to vector<1x1024xf32>
    %max3A_43 = vector.broadcast %broadcast_in_dim3A_41 : vector<1024x1xf32> to vector<1024x1024xf32>
    %max3A_44 = vector.broadcast %broadcast_in_dim3A_42 : vector<1x1024xf32> to vector<1024x1024xf32>
    %max3A_45 = arith.maximumf %max3A_43, %max3A_44 : vector<1024x1024xf32>
    %broadcast_in_dim3A_46 = vector.shape_cast %add3A : vector<1024xf32> to vector<1024x1xf32>
    %broadcast_in_dim3A_47 = vector.shape_cast %add3A : vector<1024xf32> to vector<1x1024xf32>
    %min3A = vector.broadcast %broadcast_in_dim3A_46 : vector<1024x1xf32> to vector<1024x1024xf32>
    %min3A_48 = vector.broadcast %broadcast_in_dim3A_47 : vector<1x1024xf32> to vector<1024x1024xf32>
    %min3A_49 = arith.minimumf %min3A, %min3A_48 : vector<1024x1024xf32>
    %broadcast_in_dim3A_50 = vector.shape_cast %add3A_32 : vector<1024xf32> to vector<1024x1xf32>
    %broadcast_in_dim3A_51 = vector.shape_cast %add3A_32 : vector<1024xf32> to vector<1x1024xf32>
    %min3A_52 = vector.broadcast %broadcast_in_dim3A_50 : vector<1024x1xf32> to vector<1024x1024xf32>
    %min3A_53 = vector.broadcast %broadcast_in_dim3A_51 : vector<1x1024xf32> to vector<1024x1024xf32>
    %min3A_54 = arith.minimumf %min3A_52, %min3A_53 : vector<1024x1024xf32>
    %sub3A_55 = arith.subf %min3A_49, %max3A_40 : vector<1024x1024xf32>
    %jit3A = arith.constant 0.000000e+00 : f32
    %max3A_56 = vector.broadcast %jit3A : f32 to vector<1024x1024xf32>
    %max3A_57 = arith.maximumf %max3A_56, %sub3A_55 : vector<1024x1024xf32>
    %sub3A_58 = arith.subf %min3A_54, %max3A_45 : vector<1024x1024xf32>
    %jit3A_59 = arith.constant 0.000000e+00 : f32
    %max3A_60 = vector.broadcast %jit3A_59 : f32 to vector<1024x1024xf32>
    %max3A_61 = arith.maximumf %max3A_60, %sub3A_58 : vector<1024x1024xf32>
    %mul3A_62 = arith.mulf %max3A_57, %max3A_61 : vector<1024x1024xf32>
    %sub3A_63 = arith.subf %add3A, %sub3A : vector<1024xf32>
    %sub3A_64 = arith.subf %add3A_32, %sub3A_21 : vector<1024xf32>
    %mul3A_65 = arith.mulf %sub3A_63, %sub3A_64 : vector<1024xf32>
    %broadcast_in_dim3A_66 = vector.shape_cast %mul3A_65 : vector<1024xf32> to vector<1024x1xf32>
    %broadcast_in_dim3A_67 = vector.shape_cast %mul3A_65 : vector<1024xf32> to vector<1x1024xf32>
    %add3A_68 = vector.broadcast %broadcast_in_dim3A_66 : vector<1024x1xf32> to vector<1024x1024xf32>
    %add3A_69 = vector.broadcast %broadcast_in_dim3A_67 : vector<1x1024xf32> to vector<1024x1024xf32>
    %add3A_70 = arith.addf %add3A_68, %add3A_69 : vector<1024x1024xf32>
    %sub3A_71 = arith.subf %add3A_70, %mul3A_62 : vector<1024x1024xf32>
    %add3A_72 = arith.constant 9.99999971E-10 : f32
    %add3A_73 = vector.broadcast %add3A_72 : f32 to vector<1024x1024xf32>
    %add3A_74 = arith.addf %sub3A_71, %add3A_73 : vector<1024x1024xf32>
    %div3A = arith.divf %mul3A_62, %add3A_74 : vector<1024x1024xf32>
    %iota3A = tpu.iota {dimensions = array<i32: 0>} : vector<1024x1024xi32>
    %iota3A_75 = tpu.iota {dimensions = array<i32: 1>} : vector<1024x1024xi32>
    %ge3A = arith.constant 5.000000e-01 : f32
    %ge3A_76 = vector.broadcast %ge3A : f32 to vector<1024x1024xf32>
    %ge3A_77 = arith.cmpf oge, %div3A, %ge3A_76 : vector<1024x1024xf32>
    %gt3A = arith.cmpi sgt, %iota3A_75, %iota3A : vector<1024x1024xi32>
    %and3A = arith.andi %ge3A_77, %gt3A : vector<1024x1024xi1>
    %convert_element_type3A = arith.extui %and3A : vector<1024x1024xi1> to vector<1024x1024xi32>
    %convert_element_type3A_78 = arith.sitofp %convert_element_type3A : vector<1024x1024xi32> to vector<1024x1024xf32>
    %swap3A = arith.constant 0 : index
    %swap3A_79 = arith.constant 0 : index
    %swap3A_80 = vector.load %arg7[%swap3A, %swap3A_79] : memref<1024x1024xf32, #tpu.memory_space<vmem>>, vector<1024x1024xf32>
    tpu.vector_store %arg7[%swap3A, %swap3A_79], %convert_element_type3A_78 {strides = array<i32>} : memref<1024x1024xf32, #tpu.memory_space<vmem>>, vector<1024x1024xf32>,
    %gt3A_81 = arith.constant 2.500000e-01 : f32
    %gt3A_82 = vector.broadcast %gt3A_81 : f32 to vector<1024xf32>
    %gt3A_83 = arith.cmpf ogt, %get3A_37, %gt3A_82 : vector<1024xf32>
    %convert_element_type3A_84 = arith.extui %gt3A_83 : vector<1024xi1> to vector<1024xi32>
    %convert_element_type3A_85 = arith.sitofp %convert_element_type3A_84 : vector<1024xi32> to vector<1024xf32>
    %while3A = arith.constant 0 : i32
    %while3A_86 = arith.constant true
    %while3A_87:3 = scf.while (%while3A_183 = %convert_element_type3A_85, %while3A_184 = %while3A, %while3A_185 = %while3A_86) : (vector<1024xf32>, i32, i1) -> (vector<1024xf32>, i32, i1) {
      %lt3A_186 = arith.constant 1000 : i32
      %lt3A_187 = arith.cmpi slt, %while3A_184, %lt3A_186 : i32
      %and3A_188 = arith.andi %while3A_185, %lt3A_187 : i1
      scf.condition(%and3A_188) %while3A_183, %while3A_184, %while3A_185 : vector<1024xf32>, i32, i1
    } do {
    ^bb0(%while3A_183: vector<1024xf32>, %while3A_184: i32, %while3A_185: i1):
      %broadcast_in_dim3A_186 = vector.shape_cast %while3A_183 : vector<1024xf32> to vector<1x1024xf32>
      %get3A_187 = arith.constant 0 : index
      %get3A_188 = arith.constant 0 : index
      %get3A_189 = vector.load %arg7[%get3A_187, %get3A_188] : memref<1024x1024xf32, #tpu.memory_space<vmem>>, vector<1024x1024xf32>
      %dot_general3A_190 = arith.constant dense<0.000000e+00> : vector<1x1024xf32>
      %dot_general3A_191 = tpu.matmul %broadcast_in_dim3A_186, %get3A_189, %dot_general3A_190 {dimension_numbers = #tpu.dot_dimension_numbers<[1], [0], [0], [1], [0, 0, 1, 1], [], []>, transpose_lhs_hint = false} : vector<1x1024xf32>, vector<1024x1024xf32>, vector<1x1024xf32> -> vector<1x1024xf32>
      %squeeze3A_192 = vector.shape_cast %dot_general3A_191 : vector<1x1024xf32> to vector<1024xf32>
      %gt3A_193 = arith.constant 5.000000e-01 : f32
      %gt3A_194 = vector.broadcast %gt3A_193 : f32 to vector<1024xf32>
      %gt3A_195 = arith.cmpf ogt, %squeeze3A_192, %gt3A_194 : vector<1024xf32>
      %jit3A_196 = arith.constant 0.000000e+00 : f32
      %broadcast_in_dim3A_197 = vector.broadcast %jit3A_196 : f32 to vector<1024xf32>
      %select_n3A_198 = arith.select %gt3A_195, %broadcast_in_dim3A_197, %convert_element_type3A_85 : vector<1024xi1>, vector<1024xf32>
      %add3A_199 = arith.constant 1 : i32
      %add3A_200 = arith.addi %while3A_184, %add3A_199 : i32
      %ne3A = arith.cmpf one, %select_n3A_198, %while3A_183 : vector<1024xf32>
      %reduce_or3A = arith.constant 1.000000e+00 : f32
      %reduce_or3A_201 = arith.constant 0.000000e+00 : f32
      %reduce_or3A_202 = vector.broadcast %reduce_or3A : f32 to vector<1024xf32>
      %reduce_or3A_203 = vector.broadcast %reduce_or3A_201 : f32 to vector<1024xf32>
      %reduce_or3A_204 = arith.select %ne3A, %reduce_or3A_202, %reduce_or3A_203 : vector<1024xi1>, vector<1024xf32>
      %reduce_or3A_205 = vector.shape_cast %reduce_or3A_204 : vector<1024xf32> to vector<1x1024xf32>
      %reduce_or3A_206 = arith.constant dense<0xFF800000> : vector<1xf32>
      %reduce_or3A_207 = vector.multi_reduction <maximumf>, %reduce_or3A_205, %reduce_or3A_206 [1] : vector<1x1024xf32> to vector<1xf32>
      %reduce_or3A_208 = vector.shape_cast %reduce_or3A_207 : vector<1xf32> to vector<1x1xf32>
      %reduce_or3A_209 = vector.extract %reduce_or3A_208[0, 0] : f32 from vector<1x1xf32>
      %reduce_or3A_210 = arith.constant 0.000000e+00 : f32
      %reduce_or3A_211 = arith.cmpf ogt, %reduce_or3A_209, %reduce_or3A_210 : f32
      scf.yield %select_n3A_198, %add3A_200, %reduce_or3A_211 : vector<1024xf32>, i32, i1
    }
    %iota3A_88 = tpu.iota {dimensions = array<i32: 1>} : vector<1x1024xi32>
    %iota3A_89 = vector.shape_cast %iota3A_88 : vector<1x1024xi32> to vector<1024xi32>
    %lt3A = arith.constant 1000 : i32
    %lt3A_90 = vector.broadcast %lt3A : i32 to vector<1024xi32>
    %lt3A_91 = arith.cmpi slt, %iota3A_89, %lt3A_90 : vector<1024xi32>
    %sub3A_92 = arith.constant 1.000000e+00 : f32
    %sub3A_93 = vector.broadcast %sub3A_92 : f32 to vector<1024xf32>
    %sub3A_94 = arith.subf %sub3A_93, %while3A_87#0 : vector<1024xf32>
    %jit3A_95 = arith.constant 0.000000e+00 : f32
    %broadcast_in_dim3A_96 = vector.broadcast %jit3A_95 : f32 to vector<1024xf32>
    %select_n3A = arith.select %lt3A_91, %sub3A_94, %broadcast_in_dim3A_96 : vector<1024xi1>, vector<1024xf32>
    %lt3A_97 = arith.cmpi slt, %iota3A, %iota3A_75 : vector<1024x1024xi32>
    %convert_element_type3A_98 = arith.extui %lt3A_97 : vector<1024x1024xi1> to vector<1024x1024xi32>
    %convert_element_type3A_99 = arith.sitofp %convert_element_type3A_98 : vector<1024x1024xi32> to vector<1024x1024xf32>
    %swap3A_100 = arith.constant 0 : index
    %swap3A_101 = arith.constant 0 : index
    %swap3A_102 = vector.load %arg7[%swap3A_100, %swap3A_101] : memref<1024x1024xf32, #tpu.memory_space<vmem>>, vector<1024x1024xf32>
    tpu.vector_store %arg7[%swap3A_100, %swap3A_101], %convert_element_type3A_99 {strides = array<i32>} : memref<1024x1024xf32, #tpu.memory_space<vmem>>, vector<1024x1024xf32>,
    %stack3A = vector.shape_cast %while3A_87#0 : vector<1024xf32> to vector<1x1024xf32>
    %stack3A_103 = vector.shape_cast %select_n3A : vector<1024xf32> to vector<1x1024xf32>
    %stack3A_104 = tpu.concatenate %stack3A, %stack3A_103 in 0 : vector<1x1024xf32>, vector<1x1024xf32> -> vector<2x1024xf32>
    %get3A_105 = arith.constant 0 : index
    %get3A_106 = arith.constant 0 : index
    %get3A_107 = vector.load %arg7[%get3A_105, %get3A_106] : memref<1024x1024xf32, #tpu.memory_space<vmem>>, vector<1024x1024xf32>
    %dot_general3A = arith.constant dense<0.000000e+00> : vector<2x1024xf32>
    %dot_general3A_108 = tpu.matmul %stack3A_104, %get3A_107, %dot_general3A {dimension_numbers = #tpu.dot_dimension_numbers<[1], [0], [0], [1], [0, 0, 1, 1], [], []>, transpose_lhs_hint = false} : vector<2x1024xf32>, vector<1024x1024xf32>, vector<2x1024xf32> -> vector<2x1024xf32>
    %reduce_sum3A = vector.shape_cast %while3A_87#0 : vector<1024xf32> to vector<1x1024xf32>
    %reduce_sum3A_109 = arith.constant dense<0.000000e+00> : vector<1xf32>
    %reduce_sum3A_110 = vector.multi_reduction <add>, %reduce_sum3A, %reduce_sum3A_109 [1] : vector<1x1024xf32> to vector<1xf32>
    %reduce_sum3A_111 = vector.shape_cast %reduce_sum3A_110 : vector<1xf32> to vector<1x1xf32>
    %reduce_sum3A_112 = vector.extract %reduce_sum3A_111[0, 0] : f32 from vector<1x1xf32>
    %gt3A_113 = arith.constant 5.000000e-01 : f32
    %gt3A_114 = vector.broadcast %gt3A_113 : f32 to vector<1024xf32>
    %gt3A_115 = arith.cmpf ogt, %while3A_87#0, %gt3A_114 : vector<1024xf32>
    %slice3A_116 = vector.extract_strided_slice %dot_general3A_108 {offsets = [0, 0], sizes = [1, 1024], strides = [1, 1]} : vector<2x1024xf32> to vector<1x1024xf32>
    %squeeze3A_117 = vector.shape_cast %slice3A_116 : vector<1x1024xf32> to vector<1024xf32>
    %slice3A_118 = vector.extract_strided_slice %dot_general3A_108 {offsets = [1, 0], sizes = [1, 1024], strides = [1, 1]} : vector<2x1024xf32> to vector<1x1024xf32>
    %squeeze3A_119 = vector.shape_cast %slice3A_118 : vector<1x1024xf32> to vector<1024xf32>
    %add3A_120 = vector.broadcast %reduce_sum3A_112 : f32 to vector<1024xf32>
    %add3A_121 = arith.addf %add3A_120, %squeeze3A_119 : vector<1024xf32>
    %select_n3A_122 = arith.select %gt3A_115, %squeeze3A_117, %add3A_121 : vector<1024xi1>, vector<1024xf32>
    %jit3A_123 = arith.constant 2.048000e+03 : f32
    %broadcast_in_dim3A_124 = vector.broadcast %jit3A_123 : f32 to vector<1024xf32>
    %select_n3A_125 = arith.select %lt3A_91, %select_n3A_122, %broadcast_in_dim3A_124 : vector<1024xi1>, vector<1024xf32>
    %iota3A_126 = tpu.iota {dimensions = array<i32: 0>} : vector<128x1024xi32>
    %convert_element_type3A_127 = arith.fptosi %select_n3A_125 : vector<1024xf32> to vector<1024xi32>
    %broadcast_in_dim3A_128 = vector.shape_cast %convert_element_type3A_127 : vector<1024xi32> to vector<1x1024xi32>
    %eq3A = vector.broadcast %broadcast_in_dim3A_128 : vector<1x1024xi32> to vector<128x1024xi32>
    %eq3A_129 = arith.cmpi eq, %eq3A, %iota3A_126 : vector<128x1024xi32>
    %convert_element_type3A_130 = arith.extui %eq3A_129 : vector<128x1024xi1> to vector<128x1024xi32>
    %convert_element_type3A_131 = arith.sitofp %convert_element_type3A_130 : vector<128x1024xi32> to vector<128x1024xf32>
    %get3A_132 = arith.constant 0 : index
    %get3A_133 = arith.constant 0 : index
    %get3A_134 = arith.constant 0 : index
    %get3A_135 = vector.load %arg3[%get3A_132, %get3A_133, %get3A_134] : memref<1x1x1024xf32, #tpu.memory_space<vmem>>, vector<1x1x1024xf32>
    %get3A_136 = vector.shape_cast %get3A_135 : vector<1x1x1024xf32> to vector<1024xf32>
    %stack3A_137 = vector.shape_cast %sub3A : vector<1024xf32> to vector<1x1024xf32>
    %stack3A_138 = vector.shape_cast %sub3A_21 : vector<1024xf32> to vector<1x1024xf32>
    %stack3A_139 = vector.shape_cast %add3A : vector<1024xf32> to vector<1x1024xf32>
    %stack3A_140 = vector.shape_cast %add3A_32 : vector<1024xf32> to vector<1x1024xf32>
    %stack3A_141 = vector.shape_cast %get3A_37 : vector<1024xf32> to vector<1x1024xf32>
    %stack3A_142 = vector.shape_cast %get3A_136 : vector<1024xf32> to vector<1x1024xf32>
    %stack3A_143 = tpu.concatenate %stack3A_137, %stack3A_138, %stack3A_139, %stack3A_140, %stack3A_141, %stack3A_142 in 0 : vector<1x1024xf32>, vector<1x1024xf32>, vector<1x1024xf32>, vector<1x1024xf32>, vector<1x1024xf32>, vector<1x1024xf32> -> vector<6x1024xf32>
    %dot_general3A_144 = arith.constant dense<0.000000e+00> : vector<128x6xf32>
    %dot_general3A_145 = tpu.matmul %convert_element_type3A_131, %stack3A_143, %dot_general3A_144 {dimension_numbers = #tpu.dot_dimension_numbers<[1], [1], [0], [0], [0, 0, 1, 0], [], []>, transpose_lhs_hint = false} : vector<128x1024xf32>, vector<6x1024xf32>, vector<128x6xf32> -> vector<128x6xf32>
    %iota3A_146 = tpu.iota {dimensions = array<i32: 1>} : vector<1x128xi32>
    %iota3A_147 = vector.shape_cast %iota3A_146 : vector<1x128xi32> to vector<128xi32>
    %convert_element_type3A_148 = arith.fptosi %reduce_sum3A_112 : f32 to i32
    %lt3A_149 = vector.broadcast %convert_element_type3A_148 : i32 to vector<128xi32>
    %lt3A_150 = arith.cmpi slt, %iota3A_147, %lt3A_149 : vector<128xi32>
    %slice3A_151 = vector.extract_strided_slice %dot_general3A_145 {offsets = [0, 0], sizes = [100, 4], strides = [1, 1]} : vector<128x6xf32> to vector<100x4xf32>
    %swap3A_152 = arith.constant 0 : index
    %swap3A_153 = arith.constant 0 : index
    %swap3A_154 = arith.constant 0 : index
    %swap3A_155 = vector.load %arg4[%swap3A_152, %swap3A_153, %swap3A_154] : memref<1x100x4xf32, #tpu.memory_space<vmem>>, vector<1x100x4xf32>
    %swap3A_156 = vector.shape_cast %swap3A_155 : vector<1x100x4xf32> to vector<100x4xf32>
    %swap3A_157 = vector.shape_cast %slice3A_151 : vector<100x4xf32> to vector<1x100x4xf32>
    tpu.vector_store %arg4[%swap3A_152, %swap3A_153, %swap3A_154], %swap3A_157 {strides = array<i32>} : memref<1x100x4xf32, #tpu.memory_space<vmem>>, vector<1x100x4xf32>,
    %slice3A_158 = vector.extract_strided_slice %dot_general3A_145 {offsets = [0, 4], sizes = [128, 1], strides = [1, 1]} : vector<128x6xf32> to vector<128x1xf32>
    %squeeze3A_159 = vector.shape_cast %slice3A_158 : vector<128x1xf32> to vector<128xf32>
    %jit3A_160 = arith.constant 0.000000e+00 : f32
    %broadcast_in_dim3A_161 = vector.broadcast %jit3A_160 : f32 to vector<128xf32>
    %select_n3A_162 = arith.select %lt3A_150, %squeeze3A_159, %broadcast_in_dim3A_161 : vector<128xi1>, vector<128xf32>
    %slice3A_163 = vector.extract_strided_slice %select_n3A_162 {offsets = [0], sizes = [100], strides = [1]} : vector<128xf32> to vector<100xf32>
    %swap3A_164 = arith.constant 0 : index
    %swap3A_165 = arith.constant 0 : index
    %swap3A_166 = arith.constant 0 : index
    %swap3A_167 = vector.load %arg5[%swap3A_164, %swap3A_165, %swap3A_166] : memref<1x1x100xf32, #tpu.memory_space<vmem>>, vector<1x1x100xf32>
    %swap3A_168 = vector.shape_cast %swap3A_167 : vector<1x1x100xf32> to vector<100xf32>
    %swap3A_169 = vector.shape_cast %slice3A_163 : vector<100xf32> to vector<1x1x100xf32>
    tpu.vector_store %arg5[%swap3A_164, %swap3A_165, %swap3A_166], %swap3A_169 {strides = array<i32>} : memref<1x1x100xf32, #tpu.memory_space<vmem>>, vector<1x1x100xf32>,
    %slice3A_170 = vector.extract_strided_slice %dot_general3A_145 {offsets = [0, 5], sizes = [128, 1], strides = [1, 1]} : vector<128x6xf32> to vector<128x1xf32>
    %squeeze3A_171 = vector.shape_cast %slice3A_170 : vector<128x1xf32> to vector<128xf32>
    %jit3A_172 = arith.constant -1.000000e+00 : f32
    %broadcast_in_dim3A_173 = vector.broadcast %jit3A_172 : f32 to vector<128xf32>
    %select_n3A_174 = arith.select %lt3A_150, %squeeze3A_171, %broadcast_in_dim3A_173 : vector<128xi1>, vector<128xf32>
    %slice3A_175 = vector.extract_strided_slice %select_n3A_174 {offsets = [0], sizes = [100], strides = [1]} : vector<128xf32> to vector<100xf32>
    %convert_element_type3A_176 = arith.fptosi %slice3A_175 : vector<100xf32> to vector<100xi32>
    %swap3A_177 = arith.constant 0 : index
    %swap3A_178 = arith.constant 0 : index
    %swap3A_179 = arith.constant 0 : index
    %swap3A_180 = vector.load %arg6[%swap3A_177, %swap3A_178, %swap3A_179] : memref<1x1x100xi32, #tpu.memory_space<vmem>>, vector<1x1x100xi32>
    %swap3A_181 = vector.shape_cast %swap3A_180 : vector<1x1x100xi32> to vector<100xi32>
    %swap3A_182 = vector.shape_cast %convert_element_type3A_176 : vector<100xi32> to vector<1x1x100xi32>
    tpu.vector_store %arg6[%swap3A_177, %swap3A_178, %swap3A_179], %swap3A_182 {strides = array<i32>} : memref<1x1x100xi32, #tpu.memory_space<vmem>>, vector<1x1x100xi32>,
    return
  }
  func.func @transform_0(%arg0: i32) -> (i32, i32, i32) {
    %c0_i32 = arith.constant 0 : i32
    %c0_i32_0 = arith.constant 0 : i32
    %c0_i32_1 = arith.constant 0 : i32
    return %arg0, %c0_i32, %c0_i32_0 : i32, i32, i32
  }
  func.func @transform_1(%arg0: i32) -> (i32, i32, i32) {
    %c0_i32 = arith.constant 0 : i32
    %c0_i32_0 = arith.constant 0 : i32
    %c0_i32_1 = arith.constant 0 : i32
    return %arg0, %c0_i32, %c0_i32_0 : i32, i32, i32
  }
  func.func @transform_2(%arg0: i32) -> (i32, i32, i32) {
    %c0_i32 = arith.constant 0 : i32
    %c0_i32_0 = arith.constant 0 : i32
    %c0_i32_1 = arith.constant 0 : i32
    return %arg0, %c0_i32, %c0_i32_0 : i32, i32, i32
  }
  func.func @transform_3(%arg0: i32) -> (i32, i32, i32) {
    %c0_i32 = arith.constant 0 : i32
    %c0_i32_0 = arith.constant 0 : i32
    %c0_i32_1 = arith.constant 0 : i32
    return %arg0, %c0_i32, %c0_i32_0 : i32, i32, i32
  }
  func.func @transform_4(%arg0: i32) -> (i32, i32, i32) {
    %c0_i32 = arith.constant 0 : i32
    %c0_i32_0 = arith.constant 0 : i32
    %c0_i32_1 = arith.constant 0 : i32
    return %arg0, %c0_i32, %c0_i32_0 : i32, i32, i32
  }
  func.func @transform_5(%arg0: i32) -> (i32, i32, i32) {
    %c0_i32 = arith.constant 0 : i32
    %c0_i32_0 = arith.constant 0 : i32
    %c0_i32_1 = arith.constant 0 : i32
    return %arg0, %c0_i32, %c0_i32_0 : i32, i32, i32
  }
}

</mosaic_0001>

<sc_bundles>
// kernel: gather_offload_async_start.1
scs
__scs_entry_jumppad:
0x0: {  	(pc) =	sbr.rel $0x88, $3  }
0x1: {  	(tag) =	ssettag $0x0;
	lr =	simm.s32 $0x1  }
0x2: {  	[smem:$0x3F9F] =	sst lr;
	_ =	strace $0xD0000000  }
0x3: {  	_ = 	snop  }
0x4: {  	_ = 	snop  }
0x5: {  	_ = 	snop  }
0x6: {  	_ = 	snop  }
0x7: {  	_ = 	snop  }
__scs_overlays_trampoline_lowered:
0x8: {  	[smem:$0x3FAE] =	sst s0  }
0x9: {  	[smem:$0x3FAF] =	sst s1  }
0xa: {  	[smem:$0x3FB0] =	sst s2  }
0xb: {  	[smem:$0x3FB1] =	sst s3  }
0xc: {  	[smem:$0x3FB2] =	sst s4  }
0xd: {  	[smem:$0x3FB3] =	sst s5  }
0xe: {  	[smem:$0x3FB4] =	sst s6  }
0xf: {  	[smem:$0x3FB5] =	sst s7  }
0x10: {  	[smem:$0x3FB6] =	sst s8  }
0x11: {  	[smem:$0x3FB7] =	sst s9;
	s0 =	simm.s32 @!p0 $0x0  }
0x12: {  	s1 =	sld [smem:$0x3F9D];
	s0 =	simm.s32 @p0 $0x1  }
0x13: {  	[smem:$0x3FB8] =	sst s0;
	s0 =	simm.s32 @!p1 $0x0  }
0x14: {  	s2 =	sld [smem:$0x3F9C];
	s0 =	simm.s32 @p1 $0x1  }
0x15: {  	[smem:$0x3FB9] =	sst s0;
	s0 =	simm.s32 @!p2 $0x0  }
0x16: {  	s3 =	sld [smem:$0x3FDB];
	s0 =	simm.s32 @p2 $0x1  }
0x17: {  	s4 =	simm.s32 $0x1BF5;
	[smem:$0x3FBB] =	sst s0  }
0x18: {  	s0 =	sld [smem:$0x3F9E];
	_ =	swait.ge [sflag:s4], $0x0  }
0x19: {  	s7 =	sld [smem:$0x3F9F]  }
0x1a: {  	s8 =	sadd.s32 $0xFFFFE003, lr  }
0x1b: {  	s9 =	sadd.s32 $0xFFFFFEF7, lr;
	s5 =	simm.s32 $0xFFFFFFFF;
	p2 =	slt.u32 s8, $0xFFFFF086  }
0x1c: {  	p1 =	slt.u32 s9, $0xF7A;
	s5 =	simm.s32 @!p2 $0x0  }
0x1d: {  	s5 =	simm.s32 @p1 $0x1;
	p0 =	seq.s32 s7, s2  }
0x1e: {  	s7 =	smul.u32 @!p0 $0xF7A, s2;
	p2 =	seq.s32 @!p0 s5, $0x0  }
0x1f: {  	s9 =	smul.u32 $0xF7A, s1;
	s8 =	simm.s32 @!p0 $0x1BF5;
	p2 =	por !p2, p0  }
0x20: {  	[sflag:s8] =	ssyncset.s32 @!p0 $0xFFFFF086;
	s6 =	sadd.s32 @!p0 s3, s7;
	s7 =	simm.s32 @!p0 $0x108  }
0x21: {  	s3 =	sadd.s32 s3, s9;
	s6 =	sadd.s32 @!p0 $0x88, s6;
	s7 =	simm.s32 @p2 $0x1082  }
0x22: {  	[simem:s7], [sflag:s8] =	dma.local @!p0 [hbm:s6], $0xF7A  }
0x23: {  	s9 =	sor.u32 $0xD0000000, s2;
	s6 =	simm.s32 $0x108;
	_ =	swait.ge @!p0 [sflag:s8], $0x0  }
0x24: {  	s3 =	sadd.s32 $0x88, s3;
	s6 =	simm.s32 @!p1 $0x1082;
	[sflag:s4] =	ssyncset.s32 $0xFFFFF086  }
0x25: {  	[simem:s6], [sflag:s4] =	dma.local [hbm:s3], $0xF7A  }
0x26: {  	[smem:$0x3F9F] =	sst s1;
	(tag) =	ssettag s2;
	_ =	strace s9  }
0x27: {  	s1 =	sld [smem:$0x3FAF]  }
0x28: {  	s2 =	sld [smem:$0x3FB0]  }
0x29: {  	s4 =	sld [smem:$0x3FB2]  }
0x2a: {  	p0 =	seq.s32 s5, $0x0;
	s5 =	sld [smem:$0x3FB3]  }
0x2b: {  	s6 =	sld [smem:$0x3FB4]  }
0x2c: {  	s7 =	sld [smem:$0x3FB5]  }
0x2d: {  	s3 =	simm.s32 $0x108;
	s8 =	sld [smem:$0x3FB6]  }
0x2e: {  	s3 =	simm.s32 @!p0 $0x1082;
	s9 =	sld [smem:$0x3FB7]  }
0x2f: {  	lr =	sadd.s32 s0, s3;
	s0 =	sld [smem:$0x3FAE]  }
0x30: {  	s3 =	sld [smem:$0x3FB1]  }
0x31: {  	[smem:$0x3FBA] =	sst s10  }
0x32: {  	s10 =	sld [smem:$0x3FB8];
	_ =	sdelay $0x3  }
0x33: {  	p0 =	seq.s32 s10, $0x1;
	s10 =	sld [smem:$0x3FBA];
	_ =	sdelay $0x3  }
0x34: {  	[smem:$0x3FBA] =	sst s10  }
0x35: {  	s10 =	sld [smem:$0x3FB9];
	_ =	sdelay $0x3  }
0x36: {  	p1 =	seq.s32 s10, $0x1;
	s10 =	sld [smem:$0x3FBA];
	_ =	sdelay $0x3  }
0x37: {  	[smem:$0x3FBA] =	sst s10  }
0x38: {  	s10 =	sld [smem:$0x3FBB]  }
0x39: {  	_ = 	snop;
	(pc) =	sbr.ind lr, $3  }
0x3a: {  	_ = 	snop  }
0x3b: {  	_ = 	snop  }
0x3c: {  	p2 =	seq.s32 s10, $0x1;
	s10 =	sld [smem:$0x3FBA]  }
0x3d: {  	_ =	shalt  }
0x3e: {  	_ =	shalt  }
0x3f: {  	_ =	shalt  }
0x40: {  	_ =	shalt  }
0x41: {  	_ =	shalt  }
0x42: {  	_ =	shalt  }
0x43: {  	_ =	shalt  }
0x44: {  	_ =	shalt  }
0x45: {  	_ =	shalt  }
0x46: {  	_ =	shalt  }
0x47: {  	_ =	shalt  }
0x48: {  	_ =	shalt  }
0x49: {  	_ =	shalt  }
0x4a: {  	_ =	shalt  }
0x4b: {  	_ =	shalt  }
0x4c: {  	_ =	shalt  }
0x4d: {  	_ =	shalt  }
0x4e: {  	_ =	shalt  }
0x4f: {  	_ =	shalt  }
0x50: {  	_ =	shalt  }
0x51: {  	_ =	shalt  }
0x52: {  	_ =	shalt  }
0x53: {  	_ =	shalt  }
0x54: {  	_ =	shalt  }
0x55: {  	_ =	shalt  }
0x56: {  	_ =	shalt  }
0x57: {  	_ =	shalt  }
0x58: {  	_ =	shalt  }
0x59: {  	_ =	shalt  }
0x5a: {  	_ =	shalt  }
0x5b: {  	_ =	shalt  }
0x5c: {  	_ =	shalt  }
0x5d: {  	_ =	shalt  }
0x5e: {  	_ =	shalt  }
0x5f: {  	_ =	shalt  }
0x60: {  	_ =	shalt  }
0x61: {  	_ =	shalt  }
0x62: {  	_ =	shalt  }
0x63: {  	_ =	shalt  }
0x64: {  	_ =	shalt  }
0x65: {  	_ =	shalt  }
0x66: {  	_ =	shalt  }
0x67: {  	_ =	shalt  }
0x68: {  	_ =	shalt  }
0x69: {  	_ =	shalt  }
0x6a: {  	_ =	shalt  }
0x6b: {  	_ =	shalt  }
0x6c: {  	_ =	shalt  }
0x6d: {  	_ =	shalt  }
0x6e: {  	_ =	shalt  }
0x6f: {  	_ =	shalt  }
0x70: {  	_ =	shalt  }
0x71: {  	_ =	shalt  }
0x72: {  	_ =	shalt  }
0x73: {  	_ =	shalt  }
0x74: {  	_ =	shalt  }
0x75: {  	_ =	shalt  }
0x76: {  	_ =	shalt  }
0x77: {  	_ =	shalt  }
0x78: {  	_ =	shalt  }
0x79: {  	_ =	shalt  }
0x7a: {  	_ =	shalt  }
0x7b: {  	_ =	shalt  }
0x7c: {  	_ =	shalt  }
0x7d: {  	_ =	shalt  }
0x7e: {  	_ =	shalt  }
0x7f: {  	_ =	shalt  }
0x80: {  	_ =	shalt  }
0x81: {  	_ =	shalt  }
0x82: {  	_ =	shalt  }
0x83: {  	_ =	shalt  }
0x84: {  	_ =	shalt  }
0x85: {  	_ =	shalt  }
0x86: {  	_ =	shalt  }
0x87: {  	_ =	shalt  }
.Lfunc_end0:
.L_simem_size_0:
called_computation.1_lowered:
.L_overlay_start_0:
0x88: {  	s2 =	sld [smem:$0x3FD9]  }
0x89: {  	s3 =	sld [smem:$0x3FFE];
	_ =	sdelay $0x1  }
0x8a: {  	s1 =	srdreg.scid  }
0x8b: {  	s0 =	sand.u32 $0x1, s1  }
0x8c: {  	s16 =	sshll.u32 s0, $0xA;
	s2 =	sadd.s32 s3, s2  }
0x8d: {  	s2 =	sadd.s32 s2, s16  }
0x8e: {  	[smem:$0x3FC6] =	sst s2  }
0x8f: {  	_ = 	snop  }
0x90: {  	(tm) =	ssettm $0x1  }
0x91: {  	s17 =	sld [smem:$0x3FFB];
	_ =	sdelay $0x3  }
0x92: {  	_ =	strace s17  }
0x93: {  	s2 =	sld [smem:$0x3FFC];
	_ =	sdelay $0x3  }
0x94: {  	_ =	strace s2  }
0x95: {  	s2 =	sld [smem:$0x3FFD];
	_ =	sdelay $0x3  }
0x96: {  	_ =	strace s2  }
0x97: {  	_ =	strace $0x8FFFFFFF  }
0x98: {  	s18 =	sld [smem:$0x3FDB];
	_ =	sdelay $0x1  }
0x99: {  	s19 =	simm.s32 $_scs_section_size  }
0x9a: {  	s4 =	simm.s32 $_size__tile_overlayer_lowered;
	s5 =	simm.s32 $_tile_overlayer_lowered  }
0x9b: {  	s22 =	simm.s32 $0x1BFF;
	s21 =	sshll.u32 s5, $0x1;
	s2 =	sadd.s32 s19, s18  }
0x9c: {  	s6 =	simm.s32 $0x0;
	s20 =	sshll.u32 s4, $0x1;
	s4 =	sadd.s32 s21, s2  }
0x9d: {  	[timem:s6], [sflag:s22] =	dma.local [hbm:s4], s20  }
0x9e: {  	_ =	swait.ge [sflag:s22], s20  }
0x9f: {  	s3 =	ssub.s32 $0x0, s20;
	[sflag:s22] =	ssyncset.done $0x0  }
0xa0: {  	[sflag:s22] =	ssyncadd.s32 s3;
	_ =	sdelay $0x1  }
0xa1: {  	s23 =	simm.s32 $0x1B8B  }
0xa2: {  	_ =	swait.ge [sflag:s23], $0x1  }
0xa3: {  	[sflag:s23] =	ssyncset.done $0x0  }
0xa4: {  	s25 =	simm.s32 $0x1B8E;
	s24 =	sld [smem:$0x3FFE];
	[sflag:s23] =	ssyncadd.s32 $0xFFFFFFFF  }
0xa5: {  	s26 =	simm.s32 $execute0_lowered;
	[smem:$0x3FD2] =	sst s25  }
0xa6: {  	s4 =	sshll.u32 s26, $0x1;
	_ =	strace $0x80000046;
	[dreg:$0x1] =	wrdreg $0xFFFFFFFF  }
0xa7: {  	s28 =	simm.s32 $_size_execute0_lowered;
	s2 =	sadd.s32 s2, s4;
	[dreg:$0x0] =	wrdreg $0x0  }
0xa8: {  	s4 =	sshll.u32 s28, $0x1;
	[dreg:$0x2] =	wrdreg s2  }
0xa9: {  	[dreg:$0x3] =	wrdreg s4  }
0xaa: {  	[dreg:$0x4] =	wrdreg $0xC0  }
0xab: {  	_ =	task [dreg:s6], $0x5FFFF  }
0xac: {  	[dreg:$0x1] =	wrdreg $0xFFFFFFFF  }
0xad: {  	[dreg:$0x0] =	wrdreg $0x60  }
0xae: {  	[dreg:$0x2] =	wrdreg s24  }
0xaf: {  	[dreg:$0x3] =	wrdreg $0x9  }
0xb0: {  	_ =	task.clear_ibuf [dreg:s6], $0x4FFFF;
	_ =	strace $0x90000046  }
0xb1: {  	s29 =	simm.s32 $0x9;
	_ =	strace $0x80000048  }
0xb2: {  	_ =	swait.ge [sflag:s29], $0x1  }
0xb3: {  	[sflag:s29] =	ssyncadd.s32 $0xFFFFFFFF  }
0xb4: {  	_ =	strace $0x90000048  }
0xb5: {  	_ =	sfence  }
0xb6: {  	s30 =	sld [smem:$0x0];
	_ =	sdelay $0x2  }
0xb7: {  	s31 =	sshll.u32 s1, $0xD;
	s1 =	sshrl.u32 s1, $0x2  }
0xb8: {  	s3 =	sand.u32 $0x4000, s31;
	s1 =	sadd.s32 s1, s30  }
0xb9: {  	s0 =	sor.u32 s3, s0;
	s1 =	sshll.u32 s1, $0x11  }
0xba: {  	s0 =	sor.u32 s1, s0  }
0xbb: {  	s0 =	sadd.s32 $0x8F2B, s0  }
0xbc: {  	[sflag:s0] =	ssyncadd.remote.s32 $0x1  }
0xbd: {  	_ =	sfence.sel $0xFFFF  }
0xbe: {  	[dreg:$0x0] =	wrdreg $0xFFFFFFFF;
	(pc) =	sbr.abs _section_cstart, $3  }
0xbf: {  	[dreg:$0x1] =	wrdreg $0xFFFFFFFF  }
0xc0: {  	_ =	task.clear_ibuf [dreg:s6], $0x2FFFF;
	_ =	strace $0x9FFFFFFF  }
0xc1: {  	(tm) =	ssettm $0x7FFFFFFF  }
tec
execute0_lowered:
.L_overlay_start_1:
0x0: {  	(tag) =	ssettag $0x1  }
0x1: {  	s8 =	rddreg [dreg:$0x0];
	s1 =	stileid.u32  }
0x2: {  	s2 =	srdreg.scid;
	s0 =	rddreg [dreg:$0x1]  }
0x3: {  	_ =	strace $0x80000047;
	s5 =	simm.s32 $0x1;
	s9 =	simm.s32 $0x1  }
0x4: {  	s10 =	simm.s32 $0x3;
	s2 =	sand.u32 $0x1, s2;
	s3 =	sshll.u32 s1, $0x1  }
0x5: {  	s13 =	simm.s32 $0x0;
	s12 =	simm.s32 $0x0;
	s6 =	sor.u32 s3, s2  }
0x6: {  	[sflag:s5] =	ssyncpa.u1 $0x0;
	s2 =	sadd.s32 $0xA600, s8;
	s4 =	smul.u32 $0x190, s6  }
0x7: {  	s3 =	sadd.s32 $0x9E00, s8;
	p0 =	slt.u32 s6, $0x9;
	s6 =	simm.s32 $0x3200  }
.Ltmp0:
0x8: {  	s6 =	simm.s32 @!p0 $0x0;
	s7 =	ssub.s32 $0x3E80, s4;
	(pc) =	sbr.rel .LBB2_1-.Ltmp0, $4  }
0x9: {  	s9 =	simm.s32 @!p0 $0x0;
	p0 =	sne.s32 s7, s6;
	s7 =	simm.s32 $0x1  }
0xa: {  	s8 =	sadd.s32 $0x14400, s8;
	s6 =	simm.s32 $0x2;
	s7 =	simm.s32 @!p0 $0x0  }
0xb: {  	s11 =	smov.u32 s4;
	[sflag:s6] =	ssyncpa.u1 $0x0;
	s7 =	sadd.s32 s9, s7  }
0xc: {  	vm0 =	vmmov $0xffff;
	[sflag:s10] =	ssyncpa.u1 $0x0;
	s10 =	simm.s32 $0x0;
	s9 =	sadd.s32 $0x1, s7  }
.LBB2_4:
0xd: {  	vm1 =	veq.s32 v4, $0x80000000;
	v56 =	vand.u32 $0xF, v4;
	v6 =	vand.u32 $0x7FFF, v6  }
0xe: {  	v2 =	vor.u32 v2, v5;
	v59 =	vshrl.u32 v1, $0x4;
	v60 =	vand.u32 $0xF, v1  }
0xf: {  	v4 =	vsel vm1, $0xFFFFFFFF, v56;
	v6 =	vsel vm1, $0xFFFFFFFF, v6;
	v2 =	vor.u32 v3, v2  }
0x10: {  	vm1 =	veq.s32 v1, $0x80000000;
	v5 =	vand.u32 $0x7FFF, v59;
	v7 =	vshrl.u32 v4, $0x3  }
0x11: {  	v57 =	vshll.u32 v6, $0x3;
	v4 =	vshll.u32 v4, $0x7;
	v1 =	vsel vm1, $0xFFFFFFFF, v60  }
0x12: {  	v5 =	vsel vm1, $0xFFFFFFFF, v5;
	v6 =	vand.u32 $0x7F, v6;
	v7 =	vmul.u32 $0x27400, v7  }
0x13: {  	v58 =	vand.u32 $0xFFFFFC00, v57;
	v4 =	vand.u32 $0x380, v4;
	v61 =	vshrl.u32 v1, $0x3  }
0x14: {  	v62 =	vshll.u32 v5, $0x3;
	v3 =	vadd.s32 v7, v58;
	v7 =	vmul.u32 $0x27400, v61  }
0x15: {  	v1 =	vshll.u32 v1, $0x7;
	v3 =	vor.u32 v4, v3;
	v4 =	vand.u32 $0xFFFFFC00, v62  }
0x16: {  	v1 =	vand.u32 $0x380, v1;
	v3 =	vor.u32 v6, v3;
	v4 =	vadd.s32 v7, v4  }
0x17: {  	[tilespmem:s16], [sflag:$0x1] =	stream.indirect_vreg.gather [hbm4b:s2+s10], $0x1, v0, vm0, $0x4038;
	v63 =	vand.u32 $0x7F, v5;
	v1 =	vor.u32 v1, v4;
	[tilespmem:$0x640] =	vst v63  }
0x18: {  	s15 =	sadd.s32 $0x10, s15;
	(ifvalue) =	ssetifvalue $0x7FFFFFFF;
	v0 =	vor.u32 v63, v1  }
0x19: {  	[tilespmem:s15], [sflag:$0x1] =	stream.indirect_vreg.gather [hbm4b:s2+s10], $0x1, v2, vm0, $0x4038;
	[tilespmem:$0x640] =	vst v63  }
0x1a: {  	s15 =	sadd.s32 $0x10, s15;
	(ifvalue) =	ssetifvalue $0x7FFFFFFF  }
0x1b: {  	[tilespmem:s15], [sflag:$0x1] =	stream.indirect_vreg.gather [hbm4b:s2+s10], $0x1, v3, vm0, $0x4038;
	[tilespmem:$0x640] =	vst v63  }
0x1c: {  	s15 =	sadd.s32 $0x10, s15;
	(ifvalue) =	ssetifvalue $0x7FFFFFFF  }
0x1d: {  	[tilespmem:s15], [sflag:$0x1] =	stream.indirect_vreg.gather [hbm4b:s2+s10], $0x1, v0, vm0, $0x4038;
	[tilespmem:$0x640] =	vst v63  }
0x1e: {  	_ =	swait.ge [sflag:s5], $0x190  }
0x1f: {  	s30 =	sshrl.u32 s13, $0x3;
	[sflag:s5] =	ssyncset.done $0x0  }
0x20: {  	s31 =	sand.u32 $0x7, s13;
	s15 =	sadd.s32 s8, s30;
	[sflag:s5] =	ssyncadd.s32 $0xFFFFFE70  }
0x21: {  	[hbm4b:s15+s31] =	stream.linear.scatter [tilespmem:s14], [sflag:$0x3], $0x190, $0x38;
	[tilespmem:$0x640] =	vst v63  }
.LBB2_5:
0x22: {  	s15 =	sadd.s32 $0x3200, s11  }
0x23: {  	p1 =	sgt.s32 s15, $0x3E7F  }
0x24: {  	s15 =	smov.u32 @p1 s4;
	p1 =	sne.s32 s12, s9  }
.Ltmp1:
0x25: {  	p0 =	slt.u32 s12, $0x2;
	(pc) =	sbr.rel @!p1 .LBB2_6-.Ltmp1, $4  }
0x26: {  	s14 =	simm.s32 @!p0 $0x3  }
0x27: {  	_ =	swait.ge @!p0 [sflag:s14], $0x190  }
0x28: {  	s16 =	sadd.s32 $0x1, s12;
	s13 =	smov.u32 s11;
	[sflag:s14] =	ssyncset.done @!p0 $0x0  }
0x29: {  	s12 =	smov.u32 s16;
	s11 =	smov.u32 s15;
	[sflag:s14] =	ssyncadd.s32 @!p0 $0xFFFFFE70  }
.LBB2_1:
0x2a: {  	p0 =	sge.u32 s12, s7  }
0x2b: {  	s14 =	sxor.u32 @!p0 $0x1, s12  }
0x2c: {  	s14 =	smul.u32 @!p0 $0x640, s14  }
0x2d: {  	s31 =	sadd.s32 $0xFFFFFFFF, s12;
	s15 =	sshrl.u32 @!p0 s11, $0x3  }
0x2e: {  	s16 =	sand.u32 @!p0 $0x7, s11;
	s15 =	sadd.s32 @!p0 s3, s15;
	s14 =	sshra.s32 @!p0 s14, $0x2  }
0x2f: {  	[tilespmem:s14], [sflag:$0x2] =	stream.linear.gather @!p0 [hbm4b:s15+s16], $0x190, $0x38;
	[tilespmem:$0x640] =	vst v63  }
0x30: {  	p0 =	sge.u32 s31, s7  }
.Ltmp2:
0x31: {  	_ = 	snop;
	(pc) =	sbr.rel @p0 .LBB2_5-.Ltmp2, $1  }
0x32: {  	_ =	sdelay $0x3  }
0x33: {  	s14 =	sand.u32 $0x1, s12  }
0x34: {  	_ =	swait.ge [sflag:s6], $0x190;
	p0 =	seq.s32 s14, $0x1;
	s14 =	simm.s32 $0x190  }
0x35: {  	[sflag:s6] =	ssyncset.done $0x0;
	s14 =	simm.s32 @!p0 $0x0  }
0x36: {  	[sflag:s6] =	ssyncadd.s32 $0xFFFFFE70;
	(ifvalue) =	ssetifvalue $0x7FFFFFFF;
	v0 =	vld.msk [tilespmem:s14+$0x0 ss:$0x1], $0xffff  }
0x37: {  	s15 =	sadd.s32 $0x10, s14  }
0x38: {  	v1 =	vld.msk [tilespmem:s15+$0x0 ss:$0x1], $0xffff;
	_ =	sdelay $0x2  }
0x39: {  	v2 =	vshrl.u32 v0, $0x4  }
0x3a: {  	vm1 =	veq.s32 v0, $0x80000000;
	v0 =	vand.u32 $0xF, v0;
	v2 =	vand.u32 $0x7FFF, v2  }
0x3b: {  	v0 =	vsel vm1, $0xFFFFFFFF, v0;
	v6 =	vshrl.u32 v1, $0x4;
	v2 =	vsel vm1, $0xFFFFFFFF, v2  }
0x3c: {  	v3 =	vshrl.u32 v0, $0x3;
	v0 =	vshll.u32 v0, $0x7;
	vm1 =	veq.s32 v1, $0x80000000  }
0x3d: {  	s15 =	sadd.s32 $0x10, s15;
	v1 =	vand.u32 $0xF, v1;
	v4 =	vshll.u32 v2, $0x3;
	v3 =	vmul.u32 $0x27400, v3  }
0x3e: {  	v0 =	vand.u32 $0x380, v0;
	v7 =	vand.u32 $0x7F, v2;
	v5 =	vand.u32 $0xFFFFFC00, v4;
	v4 =	vld.msk [tilespmem:s15+$0x0 ss:$0x1], $0xffff  }
0x3f: {  	v1 =	vsel vm1, $0xFFFFFFFF, v1;
	v2 =	vadd.s32 v3, v5;
	v3 =	vand.u32 $0x7FFF, v6  }
0x40: {  	v3 =	vsel vm1, $0xFFFFFFFF, v3;
	v0 =	vor.u32 v0, v2;
	v2 =	vshrl.u32 v1, $0x3  }
0x41: {  	v1 =	vshll.u32 v1, $0x7;
	v5 =	vshll.u32 v3, $0x3;
	v8 =	vmul.u32 $0x27400, v2  }
0x42: {  	s18 =	simm.s32 $0x30;
	s14 =	sadd.s32 $0x320, s14;
	s17 =	sadd.s32 $0x10, s15;
	v2 =	vand.u32 $0x380, v1;
	v0 =	vor.u32 v7, v0;
	v5 =	vand.u32 $0xFFFFFC00, v5  }
0x43: {  	s16 =	smov.u32 s14;
	s15 =	smov.u32 s14;
	v1 =	vld.msk [tilespmem:s17+$0x0 ss:$0x1], $0xffff;
	v3 =	vand.u32 $0x7F, v3;
	(ifvalue) =	ssetifvalue $0x7FFFFFFF;
	v6 =	vshrl.u32 v4, $0x4;
	v5 =	vadd.s32 v8, v5  }
.LBB2_3:
0x44: {  	s18 =	sadd.s32 $0x10, s18  }
0x45: {  	vm1 =	veq.s32 v4, $0x80000000;
	v4 =	vand.u32 $0xF, v4;
	v6 =	vand.u32 $0x7FFF, v6;
	s15 =	sadd.s32 $0x10, s15;
	p0 =	slt.u32 s18, $0x180  }
.Ltmp3:
0x46: {  	v5 =	vor.u32 v2, v5;
	v4 =	vsel vm1, $0xFFFFFFFF, v4;
	v7 =	vsel vm1, $0xFFFFFFFF, v6;
	(pc) =	sbr.rel @p0 .LBB2_3-.Ltmp3, $4  }
0x47: {  	v2 =	vshrl.u32 v4, $0x3;
	v6 =	vshll.u32 v7, $0x3;
	v4 =	vshll.u32 v4, $0x7;
	[tilespmem:s16], [sflag:$0x1] =	stream.indirect_vreg.gather [hbm4b:s2+s10], $0x1, v0, vm0, $0x4038;
	[tilespmem:$0x640] =	vst v63  }
0x48: {  	v0 =	vor.u32 v3, v5;
	s16 =	smov.u32 s15;
	v8 =	vmul.u32 $0x27400, v2;
	v2 =	vand.u32 $0x380, v4  }
0x49: {  	s17 =	sadd.s32 $0x10, s17;
	v9 =	vand.u32 $0xFFFFFC00, v6  }
0x4a: {  	v3 =	vand.u32 $0x7F, v7;
	v6 =	vshrl.u32 v1, $0x4;
	v5 =	vadd.s32 v8, v9;
	(ifvalue) =	ssetifvalue $0x7FFFFFFF;
	v4 =	vmovc v1;
	v1 =	vld.msk [tilespmem:s17+$0x0 ss:$0x1], $0xffff  }
.Ltmp4:
0x4b: {  	_ = 	snop;
	(pc) =	sbr.rel .LBB2_4-.Ltmp4, $1  }
0x4c: {  	_ =	sdelay $0x3  }
.LBB2_6:
0x4d: {  	_ =	sfence.sel $0x180000  }
0x4e: {  	s2 =	simm.s32 $0x2;
	[bflag:$0x0] =	sbarrier.arrive $0xFFFF  }
0x4f: {  	s30 =	simm.s32 $0x3;
	[sflag:s2] =	ssyncpa.u1 $0x1  }
0x50: {  	s31 =	simm.s32 $0x1;
	[sflag:s30] =	ssyncpa.u1 $0x1  }
0x51: {  	[sflag:s31] =	ssyncpa.u1 $0x1  }
0x52: {  	p0 =	sne.s32 s1, $0x0;
	_ =	strace $0x90000047  }
0x53: {  	s0 =	sadd.s32 @!p0 $0x100000, s0;
	[bflag:$0x2] =	sbarrier.arrive $0xFFFF  }
0x54: {  	[sflag:s0] =	ssyncadd.tile.s32 @!p0 $0x1;
	_ =	shalt  }
.Lfunc_end2:
_tile_overlayer_lowered:
.L_overlay_start_2:
0x55: {  	(tag) =	ssettag $0x2  }
0x56: {  	s0 =	rddreg [dreg:$0x0];
	s2 =	stileid.u32  }
0x57: {  	s1 =	rddreg [dreg:$0x1];
	p0 =	sne.s32 s2, $0x0  }
0x58: {  	s3 =	rddreg [dreg:$0x2];
	[bflag:$0x3] =	sbarrier.arrive $0xFFFF;
	s2 =	simm.s32 @!p0 $0x1C01  }
0x59: {  	[timem:s3], [sflag:s2] =	dma.local @!p0 [hbm:s0], s1  }
0x5a: {  	s0 =	simm.s32 @!p0 $0x1  }
0x5b: {  	_ =	swait.ge @!p0 [sflag:s0], s1  }
0x5c: {  	s1 =	ssub.s32 @!p0 $0x0, s1;
	[sflag:s0] =	ssyncset.done @!p0 $0x0  }
0x5d: {  	[sflag:s0] =	ssyncadd.s32 @!p0 s1  }
0x5e: {  	[bflag:$0x3] =	sbarrier.arrive $0xFFFF  }
0x5f: {  	_ =	shalt  }

// kernel: gather_offload_async_start
scs
__scs_entry_jumppad:
0x0: {  	(pc) =	sbr.rel $0x88, $3  }
0x1: {  	(tag) =	ssettag $0x0;
	lr =	simm.s32 $0x1  }
0x2: {  	[smem:$0x3F9F] =	sst lr;
	_ =	strace $0xD0000000  }
0x3: {  	_ = 	snop  }
0x4: {  	_ = 	snop  }
0x5: {  	_ = 	snop  }
0x6: {  	_ = 	snop  }
0x7: {  	_ = 	snop  }
__scs_overlays_trampoline_lowered:
0x8: {  	[smem:$0x3FAE] =	sst s0  }
0x9: {  	[smem:$0x3FAF] =	sst s1  }
0xa: {  	[smem:$0x3FB0] =	sst s2  }
0xb: {  	[smem:$0x3FB1] =	sst s3  }
0xc: {  	[smem:$0x3FB2] =	sst s4  }
0xd: {  	[smem:$0x3FB3] =	sst s5  }
0xe: {  	[smem:$0x3FB4] =	sst s6  }
0xf: {  	[smem:$0x3FB5] =	sst s7  }
0x10: {  	[smem:$0x3FB6] =	sst s8  }
0x11: {  	[smem:$0x3FB7] =	sst s9;
	s0 =	simm.s32 @!p0 $0x0  }
0x12: {  	s1 =	sld [smem:$0x3F9D];
	s0 =	simm.s32 @p0 $0x1  }
0x13: {  	[smem:$0x3FB8] =	sst s0;
	s0 =	simm.s32 @!p1 $0x0  }
0x14: {  	s2 =	sld [smem:$0x3F9C];
	s0 =	simm.s32 @p1 $0x1  }
0x15: {  	[smem:$0x3FB9] =	sst s0;
	s0 =	simm.s32 @!p2 $0x0  }
0x16: {  	s3 =	sld [smem:$0x3FDB];
	s0 =	simm.s32 @p2 $0x1  }
0x17: {  	s4 =	simm.s32 $0x1BF5;
	[smem:$0x3FBB] =	sst s0  }
0x18: {  	s0 =	sld [smem:$0x3F9E];
	_ =	swait.ge [sflag:s4], $0x0  }
0x19: {  	s7 =	sld [smem:$0x3F9F]  }
0x1a: {  	s8 =	sadd.s32 $0xFFFFE003, lr  }
0x1b: {  	s9 =	sadd.s32 $0xFFFFFEF7, lr;
	s5 =	simm.s32 $0xFFFFFFFF;
	p2 =	slt.u32 s8, $0xFFFFF086  }
0x1c: {  	p1 =	slt.u32 s9, $0xF7A;
	s5 =	simm.s32 @!p2 $0x0  }
0x1d: {  	s5 =	simm.s32 @p1 $0x1;
	p0 =	seq.s32 s7, s2  }
0x1e: {  	s7 =	smul.u32 @!p0 $0xF7A, s2;
	p2 =	seq.s32 @!p0 s5, $0x0  }
0x1f: {  	s9 =	smul.u32 $0xF7A, s1;
	s8 =	simm.s32 @!p0 $0x1BF5;
	p2 =	por !p2, p0  }
0x20: {  	[sflag:s8] =	ssyncset.s32 @!p0 $0xFFFFF086;
	s6 =	sadd.s32 @!p0 s3, s7;
	s7 =	simm.s32 @!p0 $0x108  }
0x21: {  	s3 =	sadd.s32 s3, s9;
	s6 =	sadd.s32 @!p0 $0x88, s6;
	s7 =	simm.s32 @p2 $0x1082  }
0x22: {  	[simem:s7], [sflag:s8] =	dma.local @!p0 [hbm:s6], $0xF7A  }
0x23: {  	s9 =	sor.u32 $0xD0000000, s2;
	s6 =	simm.s32 $0x108;
	_ =	swait.ge @!p0 [sflag:s8], $0x0  }
0x24: {  	s3 =	sadd.s32 $0x88, s3;
	s6 =	simm.s32 @!p1 $0x1082;
	[sflag:s4] =	ssyncset.s32 $0xFFFFF086  }
0x25: {  	[simem:s6], [sflag:s4] =	dma.local [hbm:s3], $0xF7A  }
0x26: {  	[smem:$0x3F9F] =	sst s1;
	(tag) =	ssettag s2;
	_ =	strace s9  }
0x27: {  	s1 =	sld [smem:$0x3FAF]  }
0x28: {  	s2 =	sld [smem:$0x3FB0]  }
0x29: {  	s4 =	sld [smem:$0x3FB2]  }
0x2a: {  	p0 =	seq.s32 s5, $0x0;
	s5 =	sld [smem:$0x3FB3]  }
0x2b: {  	s6 =	sld [smem:$0x3FB4]  }
0x2c: {  	s7 =	sld [smem:$0x3FB5]  }
0x2d: {  	s3 =	simm.s32 $0x108;
	s8 =	sld [smem:$0x3FB6]  }
0x2e: {  	s3 =	simm.s32 @!p0 $0x1082;
	s9 =	sld [smem:$0x3FB7]  }
0x2f: {  	lr =	sadd.s32 s0, s3;
	s0 =	sld [smem:$0x3FAE]  }
0x30: {  	s3 =	sld [smem:$0x3FB1]  }
0x31: {  	[smem:$0x3FBA] =	sst s10  }
0x32: {  	s10 =	sld [smem:$0x3FB8];
	_ =	sdelay $0x3  }
0x33: {  	p0 =	seq.s32 s10, $0x1;
	s10 =	sld [smem:$0x3FBA];
	_ =	sdelay $0x3  }
0x34: {  	[smem:$0x3FBA] =	sst s10  }
0x35: {  	s10 =	sld [smem:$0x3FB9];
	_ =	sdelay $0x3  }
0x36: {  	p1 =	seq.s32 s10, $0x1;
	s10 =	sld [smem:$0x3FBA];
	_ =	sdelay $0x3  }
0x37: {  	[smem:$0x3FBA] =	sst s10  }
0x38: {  	s10 =	sld [smem:$0x3FBB]  }
0x39: {  	_ = 	snop;
	(pc) =	sbr.ind lr, $3  }
0x3a: {  	_ = 	snop  }
0x3b: {  	_ = 	snop  }
0x3c: {  	p2 =	seq.s32 s10, $0x1;
	s10 =	sld [smem:$0x3FBA]  }
0x3d: {  	_ =	shalt  }
0x3e: {  	_ =	shalt  }
0x3f: {  	_ =	shalt  }
0x40: {  	_ =	shalt  }
0x41: {  	_ =	shalt  }
0x42: {  	_ =	shalt  }
0x43: {  	_ =	shalt  }
0x44: {  	_ =	shalt  }
0x45: {  	_ =	shalt  }
0x46: {  	_ =	shalt  }
0x47: {  	_ =	shalt  }
0x48: {  	_ =	shalt  }
0x49: {  	_ =	shalt  }
0x4a: {  	_ =	shalt  }
0x4b: {  	_ =	shalt  }
0x4c: {  	_ =	shalt  }
0x4d: {  	_ =	shalt  }
0x4e: {  	_ =	shalt  }
0x4f: {  	_ =	shalt  }
0x50: {  	_ =	shalt  }
0x51: {  	_ =	shalt  }
0x52: {  	_ =	shalt  }
0x53: {  	_ =	shalt  }
0x54: {  	_ =	shalt  }
0x55: {  	_ =	shalt  }
0x56: {  	_ =	shalt  }
0x57: {  	_ =	shalt  }
0x58: {  	_ =	shalt  }
0x59: {  	_ =	shalt  }
0x5a: {  	_ =	shalt  }
0x5b: {  	_ =	shalt  }
0x5c: {  	_ =	shalt  }
0x5d: {  	_ =	shalt  }
0x5e: {  	_ =	shalt  }
0x5f: {  	_ =	shalt  }
0x60: {  	_ =	shalt  }
0x61: {  	_ =	shalt  }
0x62: {  	_ =	shalt  }
0x63: {  	_ =	shalt  }
0x64: {  	_ =	shalt  }
0x65: {  	_ =	shalt  }
0x66: {  	_ =	shalt  }
0x67: {  	_ =	shalt  }
0x68: {  	_ =	shalt  }
0x69: {  	_ =	shalt  }
0x6a: {  	_ =	shalt  }
0x6b: {  	_ =	shalt  }
0x6c: {  	_ =	shalt  }
0x6d: {  	_ =	shalt  }
0x6e: {  	_ =	shalt  }
0x6f: {  	_ =	shalt  }
0x70: {  	_ =	shalt  }
0x71: {  	_ =	shalt  }
0x72: {  	_ =	shalt  }
0x73: {  	_ =	shalt  }
0x74: {  	_ =	shalt  }
0x75: {  	_ =	shalt  }
0x76: {  	_ =	shalt  }
0x77: {  	_ =	shalt  }
0x78: {  	_ =	shalt  }
0x79: {  	_ =	shalt  }
0x7a: {  	_ =	shalt  }
0x7b: {  	_ =	shalt  }
0x7c: {  	_ =	shalt  }
0x7d: {  	_ =	shalt  }
0x7e: {  	_ =	shalt  }
0x7f: {  	_ =	shalt  }
0x80: {  	_ =	shalt  }
0x81: {  	_ =	shalt  }
0x82: {  	_ =	shalt  }
0x83: {  	_ =	shalt  }
0x84: {  	_ =	shalt  }
0x85: {  	_ =	shalt  }
0x86: {  	_ =	shalt  }
0x87: {  	_ =	shalt  }
.Lfunc_end0:
.L_simem_size_0:
called_computation_lowered:
.L_overlay_start_0:
0x88: {  	s2 =	sld [smem:$0x3FD9]  }
0x89: {  	s3 =	sld [smem:$0x3FFE];
	_ =	sdelay $0x1  }
0x8a: {  	s1 =	srdreg.scid  }
0x8b: {  	s0 =	sand.u32 $0x1, s1  }
0x8c: {  	s17 =	sshll.u32 s0, $0xA;
	s2 =	sadd.s32 s3, s2  }
0x8d: {  	s2 =	sadd.s32 s2, s17  }
0x8e: {  	[smem:$0x3FC6] =	sst s2  }
0x8f: {  	_ = 	snop  }
0x90: {  	s2 =	sld [smem:$0x3FC9];
	(tm) =	ssettm $0x1  }
0x91: {  	s18 =	sld [smem:$0x3FFB];
	_ =	sdelay $0x3  }
0x92: {  	_ =	strace s18  }
0x93: {  	s3 =	sld [smem:$0x3FFC];
	_ =	sdelay $0x3  }
0x94: {  	_ =	strace s3  }
0x95: {  	s3 =	sld [smem:$0x3FFD];
	_ =	sdelay $0x3  }
0x96: {  	_ =	strace s3  }
0x97: {  	_ =	strace $0x8FFFFFFF  }
0x98: {  	s19 =	sld [smem:$0x3FDB];
	_ =	sdelay $0x1  }
0x99: {  	s4 =	simm.s32 $_scs_section_size  }
0x9a: {  	s5 =	simm.s32 $_size__tile_overlayer_lowered;
	s6 =	simm.s32 $_tile_overlayer_lowered  }
0x9b: {  	s22 =	simm.s32 $0x1BFF;
	s21 =	sshll.u32 s6, $0x1;
	s3 =	sadd.s32 s4, s19  }
0x9c: {  	s7 =	simm.s32 $0x0;
	s20 =	sshll.u32 s5, $0x1;
	s5 =	sadd.s32 s21, s3  }
0x9d: {  	[timem:s7], [sflag:s22] =	dma.local [hbm:s5], s20  }
0x9e: {  	_ =	swait.ge [sflag:s22], s20  }
0x9f: {  	s4 =	ssub.s32 $0x0, s20;
	[sflag:s22] =	ssyncset.done $0x0  }
0xa0: {  	[sflag:s22] =	ssyncadd.s32 s4;
	_ =	sdelay $0x1  }
0xa1: {  	s23 =	simm.s32 $0x1B8B  }
0xa2: {  	_ =	swait.ge [sflag:s23], $0x1  }
0xa3: {  	[sflag:s23] =	ssyncset.done $0x0  }
0xa4: {  	s25 =	simm.s32 $0x1B8E;
	s24 =	sld [smem:$0x3FFE];
	[sflag:s23] =	ssyncadd.s32 $0xFFFFFFFF  }
0xa5: {  	s26 =	simm.s32 $execute0_lowered;
	[smem:$0x3FD2] =	sst s25  }
0xa6: {  	s5 =	sshll.u32 s26, $0x1;
	_ =	strace $0x80000049;
	[dreg:$0x1] =	wrdreg $0xFFFFFFFF  }
0xa7: {  	s28 =	simm.s32 $_size_execute0_lowered;
	s3 =	sadd.s32 s3, s5;
	[dreg:$0x0] =	wrdreg $0x0  }
0xa8: {  	s5 =	sshll.u32 s28, $0x1;
	[dreg:$0x2] =	wrdreg s3  }
0xa9: {  	[dreg:$0x3] =	wrdreg s5  }
0xaa: {  	[dreg:$0x4] =	wrdreg $0xC0  }
0xab: {  	_ =	task [dreg:s7], $0x5FFFF  }
0xac: {  	[dreg:$0x1] =	wrdreg $0xFFFFFFFF  }
0xad: {  	[dreg:$0x0] =	wrdreg $0x60  }
0xae: {  	[dreg:$0x2] =	wrdreg s2  }
0xaf: {  	[dreg:$0x3] =	wrdreg s24  }
0xb0: {  	[dreg:$0x4] =	wrdreg $0x9  }
0xb1: {  	_ =	task.clear_ibuf [dreg:s7], $0x5FFFF;
	_ =	strace $0x90000049  }
0xb2: {  	s29 =	simm.s32 $0x9;
	_ =	strace $0x8000004B  }
0xb3: {  	_ =	swait.ge [sflag:s29], $0x1  }
0xb4: {  	[sflag:s29] =	ssyncadd.s32 $0xFFFFFFFF  }
0xb5: {  	_ =	strace $0x9000004B  }
0xb6: {  	_ =	sfence  }
0xb7: {  	s30 =	sld [smem:$0x0];
	_ =	sdelay $0x2  }
0xb8: {  	s31 =	sshll.u32 s1, $0xD;
	s1 =	sshrl.u32 s1, $0x2  }
0xb9: {  	s3 =	sand.u32 $0x4000, s31;
	s1 =	sadd.s32 s1, s30  }
0xba: {  	s0 =	sor.u32 s3, s0;
	s1 =	sshll.u32 s1, $0x11  }
0xbb: {  	s0 =	sor.u32 s1, s0  }
0xbc: {  	s0 =	sadd.s32 $0x8F2B, s0  }
0xbd: {  	[sflag:s0] =	ssyncadd.remote.s32 $0x1  }
0xbe: {  	_ =	sfence.sel $0xFFFF  }
0xbf: {  	[dreg:$0x0] =	wrdreg $0xFFFFFFFF;
	(pc) =	sbr.abs _section_cstart, $3  }
0xc0: {  	[dreg:$0x1] =	wrdreg $0xFFFFFFFF  }
0xc1: {  	_ =	task.clear_ibuf [dreg:s7], $0x2FFFF;
	_ =	strace $0x9FFFFFFF  }
0xc2: {  	(tm) =	ssettm $0x7FFFFFFF  }
0xc3: {  	_ =	shalt  }
tec
execute0_lowered:
.L_overlay_start_1:
0x0: {  	(tag) =	ssettag $0x1  }
0x1: {  	s1 =	srdreg.scid;
	s2 =	rddreg [dreg:$0x0]  }
0x2: {  	s0 =	stileid.u32;
	s5 =	rddreg [dreg:$0x1];
	s6 =	simm.s32 $0x1  }
0x3: {  	s9 =	simm.s32 $0x1;
	s10 =	simm.s32 $0x3;
	s1 =	sshll.u32 s1, $0x7  }
0x4: {  	s13 =	simm.s32 $0x0;
	s3 =	sshll.u32 s0, $0x8;
	s4 =	sand.u32 $0x80, s1  }
0x5: {  	s12 =	simm.s32 $0x0;
	s1 =	rddreg [dreg:$0x2];
	s3 =	sor.u32 s3, s4  }
0x6: {  	_ =	strace $0x8000004A;
	s4 =	sadd.s32 $0x9E00, s5;
	s8 =	ssub.s32 $0x3E80, s3  }
.Ltmp0:
0x7: {  	s5 =	sadd.s32 $0xAE00, s5;
	s7 =	sand.u32 $0xF80, s8;
	(pc) =	sbr.rel .LBB2_1-.Ltmp0, $4  }
0x8: {  	[sflag:s6] =	ssyncpa.u1 $0x0;
	s11 =	smov.u32 s3;
	p0 =	sne.s32 s7, $0x0  }
0x9: {  	s8 =	sshrl.u32 s8, $0xC;
	s7 =	simm.s32 $0x2;
	s9 =	simm.s32 @!p0 $0x0  }
0xa: {  	[sflag:s7] =	ssyncpa.u1 $0x0;
	p0 =	por $0x0, $0x0;
	s8 =	sadd.s32 s9, s8  }
0xb: {  	vm0 =	vmmov $0xffff;
	v0 =	vlaneseq.u32;
	[sflag:s10] =	ssyncpa.u1 $0x0;
	s10 =	simm.s32 $0x0;
	s9 =	sadd.s32 $0x1, s8  }
.LBB2_4:
0xc: {  	_ =	sdelay $0x3  }
0xd: {  	[tilespmem:s21], [sflag:$0x1] =	stream.indirect_vreg.gather [hbm4b:s2+s10], $0x1, v1, vm0, $0x4038;
	[tilespmem:$0x500] =	vst v63  }
0xe: {  	s15 =	sadd.s32 s17, s15  }
0xf: {  	v1 =	vld.msk [tilespmem:s15+$0x0 ss:$0x1], $0xffff;
	_ =	sdelay $0x4  }
0x10: {  	v2 =	vshrl.u32 v1, $0x4  }
0x11: {  	v3 =	vand.u32 $0xF, v1;
	vm1 =	veq.s32 v1, $0x80000000;
	v1 =	vand.u32 $0x7FFF, v2  }
0x12: {  	p1 =	sgt.s32 s18, $0x0;
	v2 =	vmul.u32 $0x13A00, v3;
	v1 =	vsel vm1, $0xFFFFFFFF, v1  }
0x13: {  	s18 =	simm.s32 @!p1 $0x0;
	v3 =	vshll.u32 v1, $0x2  }
0x14: {  	s26 =	smin.u32 s18, $0x10;
	v2 =	vsel vm1, $0xFFFEC600, v2;
	v3 =	vand.u32 $0xFFFFFE00, v3  }
0x15: {  	v1 =	vand.u32 $0x7F, v1;
	v2 =	vadd.s32 v2, v3;
	v3 =	vmov s26  }
0x16: {  	v1 =	vor.u32 v1, v2;
	vm1 =	vgt.u32 v3, v0  }
0x17: {  	v2 =	vnsel vm1, $0x7FFFFFFF, v1;
	_ =	sdelay $0x1  }
0x18: {  	v3 =	vor.u32 $0x80, v1  }
0x19: {  	(ifvalue) =	ssetifvalue $0x7FFFFFFF;
	v3 =	vnsel vm1, $0x7FFFFFFF, v3  }
0x1a: {  	s28 =	sadd.s32 s17, s16;
	(ifvalue) =	ssetifvalue $0x7FFFFFFF  }
0x1b: {  	v4 =	vor.u32 $0x100, v1;
	[tilespmem:s28], [sflag:$0x1] =	stream.indirect_vreg.gather [hbm4b:s2+s10], $0x1, v2, vm0, $0x4038;
	[tilespmem:$0x500] =	vst v63  }
0x1c: {  	(ifvalue) =	ssetifvalue $0x7FFFFFFF;
	v2 =	vnsel vm1, $0x7FFFFFFF, v4  }
0x1d: {  	s16 =	sadd.s32 $0x80, s28;
	(ifvalue) =	ssetifvalue $0x7FFFFFFF  }
0x1e: {  	v1 =	vor.u32 $0x180, v1;
	[tilespmem:s16], [sflag:$0x1] =	stream.indirect_vreg.gather [hbm4b:s2+s10], $0x1, v3, vm0, $0x4038;
	[tilespmem:$0x500] =	vst v63  }
0x1f: {  	v1 =	vnsel vm1, $0x7FFFFFFF, v1;
	(ifvalue) =	ssetifvalue $0x7FFFFFFF  }
0x20: {  	s29 =	sadd.s32 $0x100, s28;
	(ifvalue) =	ssetifvalue $0x7FFFFFFF  }
0x21: {  	[tilespmem:s29], [sflag:$0x1] =	stream.indirect_vreg.gather [hbm4b:s2+s10], $0x1, v2, vm0, $0x4038;
	[tilespmem:$0x500] =	vst v63  }
0x22: {  	(ifvalue) =	ssetifvalue $0x7FFFFFFF  }
0x23: {  	s30 =	sshll.u32 s13, $0x2;
	s15 =	sadd.s32 $0x180, s28;
	(ifvalue) =	ssetifvalue $0x7FFFFFFF  }
0x24: {  	[tilespmem:s15], [sflag:$0x1] =	stream.indirect_vreg.gather [hbm4b:s2+s10], $0x1, v1, vm0, $0x4038;
	[tilespmem:$0x500] =	vst v63  }
0x25: {  	s31 =	sand.u32 $0x78, s13;
	s15 =	sand.u32 $0xFFFFFE00, s30  }
0x26: {  	_ =	swait.ge [sflag:s6], $0x200;
	s13 =	sor.u32 s31, s15  }
0x27: {  	[sflag:s6] =	ssyncset.done $0x0;
	s13 =	sshrl.u32 s13, $0x3  }
0x28: {  	[sflag:s6] =	ssyncadd.s32 $0xFFFFFE00;
	s13 =	sadd.s32 s5, s13  }
0x29: {  	[hbm:s13] =	stream.linear.scatter [tilespmem:s14], [sflag:$0x3], $0x200, $0x38;
	[tilespmem:$0x500] =	vst v63  }
.LBB2_5:
0x2a: {  	s15 =	sadd.s32 $0x1000, s11  }
0x2b: {  	p2 =	sgt.s32 s15, $0x3E7F  }
0x2c: {  	s15 =	smov.u32 @p2 s3;
	p2 =	sne.s32 s12, s9  }
.Ltmp1:
0x2d: {  	p1 =	slt.u32 s12, $0x2;
	(pc) =	sbr.rel @!p2 .LBB2_6-.Ltmp1, $4  }
0x2e: {  	s14 =	simm.s32 @!p1 $0x3  }
0x2f: {  	s16 =	sadd.s32 $0x1, s12;
	_ =	swait.ge @!p1 [sflag:s14], $0x200  }
0x30: {  	s13 =	smov.u32 s11;
	p0 =	por !p0, !p0;
	[sflag:s14] =	ssyncset.done @!p1 $0x0  }
0x31: {  	s12 =	smov.u32 s16;
	s11 =	smov.u32 s15;
	[sflag:s14] =	ssyncadd.s32 @!p1 $0xFFFFFE00  }
.LBB2_1:
0x32: {  	p1 =	sge.u32 s12, s8  }
0x33: {  	s14 =	sxor.u32 @!p1 $0xFFFFFFFF, s12  }
0x34: {  	s31 =	sadd.s32 $0xFFFFFFFF, s12;
	s15 =	sshrl.u32 @!p1 s11, $0x3;
	s14 =	sshll.u32 @!p1 s14, $0x7  }
0x35: {  	s16 =	sand.u32 @!p1 $0x7, s11;
	s15 =	sadd.s32 @!p1 s4, s15;
	s14 =	sand.u32 @!p1 $0x80, s14  }
0x36: {  	[tilespmem:s14], [sflag:$0x2] =	stream.linear.gather @!p1 [hbm4b:s15+s16], $0x80, $0x38;
	[tilespmem:$0x500] =	vst v63  }
0x37: {  	p1 =	sge.u32 s31, s8  }
.Ltmp2:
0x38: {  	_ = 	snop;
	(pc) =	sbr.rel @p1 .LBB2_5-.Ltmp2, $1  }
0x39: {  	_ =	sdelay $0x3  }
0x3a: {  	s14 =	simm.s32 $0x1  }
0x3b: {  	_ =	swait.ge [sflag:s7], $0x80;
	s14 =	simm.s32 @!p0 $0x0  }
0x3c: {  	[sflag:s7] =	ssyncset.done $0x0;
	s15 =	sshll.u32 s14, $0x7  }
0x3d: {  	[sflag:s7] =	ssyncadd.s32 $0xFFFFFF80;
	s16 =	sadd.s32 $0x0, s15  }
0x3e: {  	v1 =	vld.msk [tilespmem:s16+$0x0 ss:$0x1], $0xffff;
	_ =	sdelay $0x3  }
0x3f: {  	s18 =	ssub.s32 $0x3E80, s13  }
0x40: {  	p1 =	slt.s32 s18, $0x80;
	v2 =	vshrl.u32 v1, $0x4  }
0x41: {  	s18 =	simm.s32 @!p1 $0x80;
	v3 =	vand.u32 $0xF, v1;
	vm1 =	veq.s32 v1, $0x80000000;
	v1 =	vand.u32 $0x7FFF, v2  }
0x42: {  	p1 =	sgt.s32 s18, $0x0;
	s16 =	smov.u32 s18;
	v2 =	vmul.u32 $0x13A00, v3;
	v1 =	vsel vm1, $0xFFFFFFFF, v1  }
0x43: {  	s16 =	simm.s32 @!p1 $0x0;
	v3 =	vshll.u32 v1, $0x2  }
0x44: {  	s16 =	smin.u32 s16, $0x10;
	v2 =	vsel vm1, $0xFFFEC600, v2;
	v3 =	vand.u32 $0xFFFFFE00, v3  }
0x45: {  	v1 =	vand.u32 $0x7F, v1;
	v2 =	vadd.s32 v2, v3;
	v3 =	vmov s16  }
0x46: {  	v1 =	vor.u32 v1, v2;
	vm1 =	vgt.u32 v3, v0  }
0x47: {  	v2 =	vnsel vm1, $0x7FFFFFFF, v1;
	_ =	sdelay $0x1  }
0x48: {  	s14 =	sshll.u32 s14, $0x9;
	v3 =	vor.u32 $0x80, v1  }
0x49: {  	(ifvalue) =	ssetifvalue $0x7FFFFFFF;
	s16 =	sor.u32 $0x100, s14;
	v3 =	vnsel vm1, $0x7FFFFFFF, v3  }
0x4a: {  	(ifvalue) =	ssetifvalue $0x7FFFFFFF;
	s19 =	sadd.s32 $0x0, s16  }
0x4b: {  	v4 =	vor.u32 $0x100, v1;
	[tilespmem:s19], [sflag:$0x1] =	stream.indirect_vreg.gather [hbm4b:s2+s10], $0x1, v2, vm0, $0x4038;
	[tilespmem:$0x500] =	vst v63  }
0x4c: {  	(ifvalue) =	ssetifvalue $0x7FFFFFFF;
	v2 =	vnsel vm1, $0x7FFFFFFF, v4  }
0x4d: {  	s17 =	sadd.s32 $0x80, s19;
	(ifvalue) =	ssetifvalue $0x7FFFFFFF  }
0x4e: {  	v1 =	vor.u32 $0x180, v1;
	[tilespmem:s17], [sflag:$0x1] =	stream.indirect_vreg.gather [hbm4b:s2+s10], $0x1, v3, vm0, $0x4038;
	[tilespmem:$0x500] =	vst v63  }
0x4f: {  	s30 =	sshll.u32 s12, $0x9;
	s20 =	simm.s32 $0x80;
	v1 =	vnsel vm1, $0x7FFFFFFF, v1;
	(ifvalue) =	ssetifvalue $0x7FFFFFFF  }
0x50: {  	s14 =	sand.u32 $0x200, s30;
	s31 =	sadd.s32 $0x100, s19;
	(ifvalue) =	ssetifvalue $0x7FFFFFFF  }
0x51: {  	[tilespmem:s31], [sflag:$0x1] =	stream.indirect_vreg.gather [hbm4b:s2+s10], $0x1, v2, vm0, $0x4038;
	[tilespmem:$0x500] =	vst v63  }
0x52: {  	s18 =	sadd.s32 $0xFFFFFFF0, s18;
	s14 =	sor.u32 $0x100, s14;
	(ifvalue) =	ssetifvalue $0x7FFFFFFF  }
0x53: {  	s21 =	sadd.s32 $0x180, s19;
	s17 =	simm.s32 $0x10;
	(ifvalue) =	ssetifvalue $0x7FFFFFFF  }
.LBB2_3:
0x54: {  	[tilespmem:s21], [sflag:$0x1] =	stream.indirect_vreg.gather [hbm4b:s2+s10], $0x1, v1, vm0, $0x4038;
	[tilespmem:$0x500] =	vst v63  }
0x55: {  	s19 =	smov.u32 s20  }
0x56: {  	s22 =	sadd.s32 s17, s15;
	s21 =	sshra.s32 s19, $0x2;
	s19 =	sadd.s32 $0x40, s20  }
0x57: {  	p1 =	sne.s32 s20, $0x1C0;
	v1 =	vld.msk [tilespmem:s22+$0x0 ss:$0x1], $0xffff  }
0x58: {  	(ifvalue) =	ssetifvalue $0x7FFFFFFF;
	_ =	sdelay $0x4  }
0x59: {  	v2 =	vand.u32 $0xF, v1;
	v3 =	vshrl.u32 v1, $0x4  }
0x5a: {  	vm1 =	veq.s32 v1, $0x80000000;
	v1 =	vand.u32 $0x7FFF, v3;
	v2 =	vmul.u32 $0x13A00, v2  }
0x5b: {  	p2 =	sgt.s32 s18, $0x0;
	s20 =	smov.u32 s18;
	v1 =	vsel vm1, $0xFFFFFFFF, v1  }
0x5c: {  	s20 =	simm.s32 @!p2 $0x0;
	v2 =	vsel vm1, $0xFFFEC600, v2;
	v3 =	vshll.u32 v1, $0x2  }
0x5d: {  	s20 =	smin.u32 s20, $0x10;
	v3 =	vand.u32 $0xFFFFFE00, v3  }
0x5e: {  	v1 =	vand.u32 $0x7F, v1;
	v2 =	vadd.s32 v2, v3;
	v3 =	vmov s20  }
0x5f: {  	v1 =	vor.u32 v1, v2;
	vm1 =	vgt.u32 v3, v0  }
0x60: {  	v2 =	vnsel vm1, $0x7FFFFFFF, v1;
	v3 =	vor.u32 $0x80, v1;
	v4 =	vor.u32 $0x100, v1  }
0x61: {  	v1 =	vor.u32 $0x180, v1;
	_ =	sdelay $0x1  }
0x62: {  	v3 =	vnsel vm1, $0x7FFFFFFF, v3  }
0x63: {  	s20 =	sadd.s32 s17, s16;
	s17 =	smov.u32 s21;
	(ifvalue) =	ssetifvalue $0x7FFFFFFF  }
0x64: {  	[tilespmem:s20], [sflag:$0x1] =	stream.indirect_vreg.gather [hbm4b:s2+s10], $0x1, v2, vm0, $0x4038;
	[tilespmem:$0x500] =	vst v63  }
0x65: {  	v2 =	vnsel vm1, $0x7FFFFFFF, v4;
	(ifvalue) =	ssetifvalue $0x7FFFFFFF  }
0x66: {  	s21 =	sadd.s32 $0x80, s20;
	(ifvalue) =	ssetifvalue $0x7FFFFFFF  }
0x67: {  	[tilespmem:s21], [sflag:$0x1] =	stream.indirect_vreg.gather [hbm4b:s2+s10], $0x1, v3, vm0, $0x4038;
	[tilespmem:$0x500] =	vst v63  }
.Ltmp3:
0x68: {  	v1 =	vnsel vm1, $0x7FFFFFFF, v1;
	(ifvalue) =	ssetifvalue $0x7FFFFFFF;
	(pc) =	sbr.rel @p1 .LBB2_3-.Ltmp3, $4  }
0x69: {  	s21 =	sadd.s32 $0x100, s20;
	(ifvalue) =	ssetifvalue $0x7FFFFFFF  }
0x6a: {  	[tilespmem:s21], [sflag:$0x1] =	stream.indirect_vreg.gather [hbm4b:s2+s10], $0x1, v2, vm0, $0x4038;
	[tilespmem:$0x500] =	vst v63  }
0x6b: {  	s18 =	sadd.s32 $0xFFFFFFF0, s18;
	(ifvalue) =	ssetifvalue $0x7FFFFFFF  }
0x6c: {  	s21 =	sadd.s32 $0x180, s20;
	s20 =	smov.u32 s19;
	(ifvalue) =	ssetifvalue $0x7FFFFFFF  }
.Ltmp4:
0x6d: {  	_ = 	snop;
	(pc) =	sbr.rel .LBB2_4-.Ltmp4, $1  }
0x6e: {  	_ =	sdelay $0x3  }
.LBB2_6:
0x6f: {  	_ =	sfence.sel $0x180000  }
0x70: {  	s2 =	simm.s32 $0x2;
	[bflag:$0x0] =	sbarrier.arrive $0xFFFF  }
0x71: {  	s30 =	simm.s32 $0x3;
	[sflag:s2] =	ssyncpa.u1 $0x1  }
0x72: {  	s31 =	simm.s32 $0x1;
	[sflag:s30] =	ssyncpa.u1 $0x1  }
0x73: {  	[sflag:s31] =	ssyncpa.u1 $0x1  }
0x74: {  	p0 =	sne.s32 s0, $0x0;
	_ =	strace $0x9000004A  }
0x75: {  	s0 =	sadd.s32 @!p0 $0x100000, s1;
	[bflag:$0x2] =	sbarrier.arrive $0xFFFF  }
0x76: {  	[sflag:s0] =	ssyncadd.tile.s32 @!p0 $0x1;
	_ =	shalt  }
.Lfunc_end2:
_tile_overlayer_lowered:
.L_overlay_start_2:
0x77: {  	(tag) =	ssettag $0x2  }
0x78: {  	s0 =	rddreg [dreg:$0x0];
	s2 =	stileid.u32  }
0x79: {  	s1 =	rddreg [dreg:$0x1];
	p0 =	sne.s32 s2, $0x0  }
0x7a: {  	s3 =	rddreg [dreg:$0x2];
	[bflag:$0x3] =	sbarrier.arrive $0xFFFF;
	s2 =	simm.s32 @!p0 $0x1C01  }
0x7b: {  	[timem:s3], [sflag:s2] =	dma.local @!p0 [hbm:s0], s1  }
0x7c: {  	s0 =	simm.s32 @!p0 $0x1  }
0x7d: {  	_ =	swait.ge @!p0 [sflag:s0], s1  }
0x7e: {  	s1 =	ssub.s32 @!p0 $0x0, s1;
	[sflag:s0] =	ssyncset.done @!p0 $0x0  }
0x7f: {  	[sflag:s0] =	ssyncadd.s32 @!p0 s1  }
0x80: {  	[bflag:$0x3] =	sbarrier.arrive $0xFFFF  }
0x81: {  	_ =	shalt  }

</sc_bundles>
